<compile_context>
chip_gen: v7x
topology: tpu7x:2x2x1
jax: 0.10.2.dev20260603
libtpu: 0.0.44.dev20260713+nightly
codegen_flags: <defaults>
</compile_context>

<pallas_src>
import functools

import jax
import jax.numpy as jnp
from jax.experimental import pallas as pl
from jax.experimental.pallas import tpu as pltpu

_B = 8
_N = 20000
_NPAD = 20480
_PRE = 6000
_PREPAD = 6144
_POST = 1000
_POSTPAD = 1024
_THRESH = 0.7
_MINSZ = 16.0
_CHUNK = 128


def _decode_kernel(hm1_ref, wm1_ref, a_ref, d_ref,
                   px1_ref, py1_ref, px2_ref, py2_ref, valid_ref):
    ax1 = a_ref[:, 0, :]
    ay1 = a_ref[:, 1, :]
    ax2 = a_ref[:, 2, :]
    ay2 = a_ref[:, 3, :]
    a_w = ax2 - ax1
    a_h = ay2 - ay1
    a_x = ax1 + 0.5 * a_w
    a_y = ay1 + 0.5 * a_h
    p_x = a_x + d_ref[:, 0, :] * a_w
    p_y = a_y + d_ref[:, 1, :] * a_h
    p_w = a_w * jnp.exp(jnp.clip(d_ref[:, 2, :], -10.0, 10.0))
    p_h = a_h * jnp.exp(jnp.clip(d_ref[:, 3, :], -10.0, 10.0))
    x1 = p_x - 0.5 * p_w
    y1 = p_y - 0.5 * p_h
    x2 = p_x + 0.5 * p_w
    y2 = p_y + 0.5 * p_h
    wm1 = wm1_ref[:]
    hm1 = hm1_ref[:]
    x1 = jnp.clip(x1, 0.0, wm1)
    x2 = jnp.clip(x2, 0.0, wm1)
    y1 = jnp.clip(y1, 0.0, hm1)
    y2 = jnp.clip(y2, 0.0, hm1)
    ws = x2 - x1
    hs = y2 - y1
    valid = (ws >= _MINSZ) & (hs >= _MINSZ)
    px1_ref[:] = x1
    py1_ref[:] = y1
    px2_ref[:] = x2
    py2_ref[:] = y2
    valid_ref[:] = valid.astype(jnp.float32)


def _nms_kernel(x1_ref, y1_ref, x2_ref, y2_ref, valid_ref,
                ox1_ref, oy1_ref, ox2_ref, oy2_ref, cnt_ref, sup_ref):
    ox1_ref[:] = jnp.zeros((_B, _POSTPAD), jnp.float32)
    oy1_ref[:] = jnp.zeros((_B, _POSTPAD), jnp.float32)
    ox2_ref[:] = jnp.zeros((_B, _POSTPAD), jnp.float32)
    oy2_ref[:] = jnp.zeros((_B, _POSTPAD), jnp.float32)
    sup_ref[:] = 1.0 - valid_ref[:]
    x1 = x1_ref[:]
    y1 = y1_ref[:]
    x2 = x2_ref[:]
    y2 = y2_ref[:]
    areas = (x2 - x1) * (y2 - y1)
    lane_out = jax.lax.broadcasted_iota(jnp.int32, (_B, _POSTPAD), 1)
    lane_ch = jax.lax.broadcasted_iota(jnp.int32, (_B, _CHUNK), 1)

    def step(kb, cx1, cy1, cx2, cy2, i, counts):
        oh = lane_ch == i

        def col(v):
            return jnp.sum(jnp.where(oh, v, 0.0), axis=1, keepdims=True)

        sup_ch = sup_ref[:, pl.ds(kb, _CHUNK)]
        alive = 1.0 - col(sup_ch)
        bx1 = col(cx1)
        by1 = col(cy1)
        bx2 = col(cx2)
        by2 = col(cy2)
        xx1 = jnp.maximum(bx1, x1)
        yy1 = jnp.maximum(by1, y1)
        xx2 = jnp.minimum(bx2, x2)
        yy2 = jnp.minimum(by2, y2)
        inter = jnp.maximum(xx2 - xx1, 0.0) * jnp.maximum(yy2 - yy1, 0.0)
        b_area = (bx2 - bx1) * (by2 - by1)
        iou = inter / (areas + b_area - inter + 1e-9)
        sup_ref[:] = jnp.maximum(
            sup_ref[:], jnp.where(iou > _THRESH, alive, 0.0))
        slot = lane_out == counts.astype(jnp.int32)
        w = slot & (alive > 0.0)
        ox1_ref[:] = jnp.where(w, bx1, ox1_ref[:])
        oy1_ref[:] = jnp.where(w, by1, oy1_ref[:])
        ox2_ref[:] = jnp.where(w, bx2, ox2_ref[:])
        oy2_ref[:] = jnp.where(w, by2, oy2_ref[:])
        return counts + alive

    def outer_cond(carry):
        k, counts = carry
        return (k < _PREPAD // _CHUNK) & (jnp.min(counts) < float(_POST))

    def outer_body(carry):
        k, counts = carry
        kb = pl.multiple_of(k * _CHUNK, _CHUNK)
        cx1 = x1_ref[:, pl.ds(kb, _CHUNK)]
        cy1 = y1_ref[:, pl.ds(kb, _CHUNK)]
        cx2 = x2_ref[:, pl.ds(kb, _CHUNK)]
        cy2 = y2_ref[:, pl.ds(kb, _CHUNK)]
        counts = jax.lax.fori_loop(
            0, _CHUNK,
            lambda i, cc: step(kb, cx1, cy1, cx2, cy2, i, cc), counts)
        return k + 1, counts

    _, counts = jax.lax.while_loop(
        outer_cond, outer_body, (0, jnp.zeros((_B, 1), jnp.float32)))
    cnt_ref[:] = counts


def kernel(image_sizes, anchors, class_logits, bbox_deltas):
    f32 = jnp.float32
    pad3 = ((0, 0), (0, 0), (0, _NPAD - _N))
    at = jnp.pad(anchors.transpose(0, 2, 1), pad3)
    dt = jnp.pad(bbox_deltas.transpose(0, 2, 1), pad3)
    logits = jnp.pad(class_logits[:, :, 0], ((0, 0), (0, _NPAD - _N)))
    hm1 = image_sizes[:, 0:1].astype(f32) - 1.0
    wm1 = image_sizes[:, 1:2].astype(f32) - 1.0

    plane = jax.ShapeDtypeStruct((_B, _NPAD), f32)
    px1, py1, px2, py2, valid = pl.pallas_call(
        _decode_kernel,
        out_shape=[plane, plane, plane, plane, plane],
    )(hm1, wm1, at, dt)

    scores = jnp.where(valid > 0.0, jax.nn.sigmoid(logits), -jnp.inf)
    scores = jnp.where(jnp.arange(_NPAD)[None, :] < _N, scores, -jnp.inf)
    top_scores, top_idx = jax.lax.top_k(scores, _PRE)

    cpad = ((0, 0), (0, _PREPAD - _PRE))
    sx1 = jnp.pad(jnp.take_along_axis(px1, top_idx, axis=1), cpad)
    sy1 = jnp.pad(jnp.take_along_axis(py1, top_idx, axis=1), cpad)
    sx2 = jnp.pad(jnp.take_along_axis(px2, top_idx, axis=1), cpad)
    sy2 = jnp.pad(jnp.take_along_axis(py2, top_idx, axis=1), cpad)
    svalid = jnp.pad(jnp.isfinite(top_scores).astype(f32), cpad)

    oplane = jax.ShapeDtypeStruct((_B, _POSTPAD), f32)
    ox1, oy1, ox2, oy2, cnt, _ = pl.pallas_call(
        _nms_kernel,
        out_shape=[oplane, oplane, oplane, oplane,
                   jax.ShapeDtypeStruct((_B, 1), f32),
                   jax.ShapeDtypeStruct((_B, _PREPAD), f32)],
    )(sx1, sy1, sx2, sy2, svalid)

    keep_boxes = jnp.stack(
        [ox1[:, :_POST], oy1[:, :_POST], ox2[:, :_POST], oy2[:, :_POST]],
        axis=-1)
    counts = cnt[:, 0].astype(jnp.int32)
    keep_mask = jnp.arange(_POST)[None, :] < counts[:, None]
    return keep_boxes, keep_mask

# --- scband reference (transcript-rebuilt; emitter-appended) ---
"""Pipeline reference for scband-proposal-generator-29231547416840 (READ-ONLY COPY).

The authoritative reference and input builder live on the scoring server;
editing this copy changes nothing except your own understanding.
"""

import jax, jax.numpy as jnp
import numpy as np

PRE_NMS_TOPK = 6000
POST_NMS_TOPK = 1000
NMS_THRESH = 0.7
MIN_SIZE = 16.0


def setup_inputs(seed: int = 0):
    key = jax.random.key(seed)
    k1, k2, k3, k4, k5 = jax.random.split(key, 5)
    B, N = 8, 20000
    image_sizes = jax.random.randint(k1, (B, 2), 512, 1024).astype(jnp.int32)
    cxy = jax.random.uniform(k2, (B, N, 2), minval=0.0, maxval=1024.0, dtype=jnp.float32)
    wh = jax.random.uniform(k3, (B, N, 2), minval=16.0, maxval=256.0, dtype=jnp.float32)
    anchors = jnp.concatenate([cxy - 0.5 * wh, cxy + 0.5 * wh], axis=-1)
    class_logits = jax.random.normal(k4, (B, N, 1), dtype=jnp.float32)
    bbox_deltas = jax.random.normal(k5, (B, N, 4), dtype=jnp.float32) * 0.2
    return {"image_sizes": image_sizes, "anchors": anchors, "class_logits": class_logits, "bbox_deltas": bbox_deltas}


def _decode(image_size, anchors, class_logits, bbox_deltas):
    a_w = anchors[:, 2] - anchors[:, 0]
    a_h = anchors[:, 3] - anchors[:, 1]
    a_x = anchors[:, 0] + 0.5 * a_w
    a_y = anchors[:, 1] + 0.5 * a_h
    t_x = bbox_deltas[:, 0]
    t_y = bbox_deltas[:, 1]
    t_w = bbox_deltas[:, 2]
    t_h = bbox_deltas[:, 3]
    p_x = a_x + t_x * a_w
    p_y = a_y + t_y * a_h
    p_w = a_w * jnp.exp(jnp.clip(t_w, -10.0, 10.0))
    p_h = a_h * jnp.exp(jnp.clip(t_h, -10.0, 10.0))
    x1 = p_x - 0.5 * p_w
    y1 = p_y - 0.5 * p_h
    x2 = p_x + 0.5 * p_w
    y2 = p_y + 0.5 * p_h
    h = image_size[0].astype(jnp.float32)
    w = image_size[1].astype(jnp.float32)
    x1 = jnp.clip(x1, 0.0, w - 1.0)
    x2 = jnp.clip(x2, 0.0, w - 1.0)
    y1 = jnp.clip(y1, 0.0, h - 1.0)
    y2 = jnp.clip(y2, 0.0, h - 1.0)
    proposals = jnp.stack([x1, y1, x2, y2], axis=1)
    ws = x2 - x1
    hs = y2 - y1
    valid = (ws >= MIN_SIZE) & (hs >= MIN_SIZE)
    scores = jax.nn.sigmoid(class_logits[:, 0])
    scores = jnp.where(valid, scores, -jnp.inf)
    top_scores, top_idx = jax.lax.top_k(scores, PRE_NMS_TOPK)
    boxes = jnp.take(proposals, top_idx, axis=0)
    return boxes, top_scores


def _nms(boxes, scores):
    x1 = boxes[:, 0]
    y1 = boxes[:, 1]
    x2 = boxes[:, 2]
    y2 = boxes[:, 3]
    areas = (x2 - x1) * (y2 - y1)

    def step(scores_cur, _):
        best = jnp.argmax(scores_cur)
        best_score = scores_cur[best]
        is_valid = jnp.isfinite(best_score)
        bb = boxes[best]
        xx1 = jnp.maximum(bb[0], x1)
        yy1 = jnp.maximum(bb[1], y1)
        xx2 = jnp.minimum(bb[2], x2)
        yy2 = jnp.minimum(bb[3], y2)
        inter = jnp.maximum(xx2 - xx1, 0.0) * jnp.maximum(yy2 - yy1, 0.0)
        b_area = (bb[2] - bb[0]) * (bb[3] - bb[1])
        iou = inter / (areas + b_area - inter + 1e-9)
        suppress = iou > NMS_THRESH
        new_scores = jnp.where(suppress, -jnp.inf, scores_cur)
        new_scores = new_scores.at[best].set(-jnp.inf)
        out_box = jnp.where(is_valid, bb, jnp.zeros_like(bb))
        return new_scores, (out_box, is_valid)

    _, (keep_boxes, keep_mask) = jax.lax.scan(step, scores, None, length=POST_NMS_TOPK)
    return keep_boxes, keep_mask


def reference(image_sizes, anchors, class_logits, bbox_deltas):
    def single(sz, a, cl, bd):
        boxes, sc = _decode(sz, a, cl, bd)
        return _nms(boxes, sc)

    keep_boxes, keep_mask = jax.vmap(single)(image_sizes, anchors, class_logits, bbox_deltas)
    return keep_boxes, keep_mask

if __name__ == "__main__":
    import jax
    _d = setup_inputs()
    print(jax.jit(kernel)(*tuple(_d.values())))

</pallas_src>

<mosaic_0001>
module attributes {stable_mosaic.version = 14 : i64} {
  func.func @_decode_kernel(%arg0: memref<8x1xf32, #tpu.memory_space<vmem>>, %arg1: memref<8x1xf32, #tpu.memory_space<vmem>>, %arg2: memref<8x4x20480xf32, #tpu.memory_space<vmem>>, %arg3: memref<8x4x20480xf32, #tpu.memory_space<vmem>>, %arg4: memref<8x20480xf32, #tpu.memory_space<vmem>>, %arg5: memref<8x20480xf32, #tpu.memory_space<vmem>>, %arg6: memref<8x20480xf32, #tpu.memory_space<vmem>>, %arg7: memref<8x20480xf32, #tpu.memory_space<vmem>>, %arg8: memref<8x20480xf32, #tpu.memory_space<vmem>>) attributes {dimension_semantics = [], scalar_prefetch = 0 : i64, scratch_operands = 0 : i64, tpu.core_type = #tpu.core_type<tc>} {
    %get3A = arith.constant 0 : index
    %get3A_0 = arith.constant 0 : index
    %get3A_1 = arith.constant 0 : index
    %get3A_2 = vector.load %arg2[%get3A, %get3A_0, %get3A_1] : memref<8x4x20480xf32, #tpu.memory_space<vmem>>, vector<8x1x20480xf32>
    %get3A_3 = vector.shape_cast %get3A_2 : vector<8x1x20480xf32> to vector<8x20480xf32>
    %get3A_4 = arith.constant 0 : index
    %get3A_5 = arith.constant 1 : index
    %get3A_6 = arith.constant 0 : index
    %get3A_7 = vector.load %arg2[%get3A_4, %get3A_5, %get3A_6] : memref<8x4x20480xf32, #tpu.memory_space<vmem>>, vector<8x1x20480xf32>
    %get3A_8 = vector.shape_cast %get3A_7 : vector<8x1x20480xf32> to vector<8x20480xf32>
    %get3A_9 = arith.constant 0 : index
    %get3A_10 = arith.constant 2 : index
    %get3A_11 = arith.constant 0 : index
    %get3A_12 = vector.load %arg2[%get3A_9, %get3A_10, %get3A_11] : memref<8x4x20480xf32, #tpu.memory_space<vmem>>, vector<8x1x20480xf32>
    %get3A_13 = vector.shape_cast %get3A_12 : vector<8x1x20480xf32> to vector<8x20480xf32>
    %get3A_14 = arith.constant 0 : index
    %get3A_15 = arith.constant 3 : index
    %get3A_16 = arith.constant 0 : index
    %get3A_17 = vector.load %arg2[%get3A_14, %get3A_15, %get3A_16] : memref<8x4x20480xf32, #tpu.memory_space<vmem>>, vector<8x1x20480xf32>
    %get3A_18 = vector.shape_cast %get3A_17 : vector<8x1x20480xf32> to vector<8x20480xf32>
    %sub3A = arith.subf %get3A_13, %get3A_3 : vector<8x20480xf32>
    %sub3A_19 = arith.subf %get3A_18, %get3A_8 : vector<8x20480xf32>
    %mul3A = arith.constant 5.000000e-01 : f32
    %mul3A_20 = vector.broadcast %mul3A : f32 to vector<8x20480xf32>
    %mul3A_21 = arith.mulf %mul3A_20, %sub3A : vector<8x20480xf32>
    %add3A = arith.addf %get3A_3, %mul3A_21 : vector<8x20480xf32>
    %mul3A_22 = arith.constant 5.000000e-01 : f32
    %mul3A_23 = vector.broadcast %mul3A_22 : f32 to vector<8x20480xf32>
    %mul3A_24 = arith.mulf %mul3A_23, %sub3A_19 : vector<8x20480xf32>
    %add3A_25 = arith.addf %get3A_8, %mul3A_24 : vector<8x20480xf32>
    %get3A_26 = arith.constant 0 : index
    %get3A_27 = arith.constant 0 : index
    %get3A_28 = arith.constant 0 : index
    %get3A_29 = vector.load %arg3[%get3A_26, %get3A_27, %get3A_28] : memref<8x4x20480xf32, #tpu.memory_space<vmem>>, vector<8x1x20480xf32>
    %get3A_30 = vector.shape_cast %get3A_29 : vector<8x1x20480xf32> to vector<8x20480xf32>
    %mul3A_31 = arith.mulf %get3A_30, %sub3A : vector<8x20480xf32>
    %add3A_32 = arith.addf %add3A, %mul3A_31 : vector<8x20480xf32>
    %get3A_33 = arith.constant 0 : index
    %get3A_34 = arith.constant 1 : index
    %get3A_35 = arith.constant 0 : index
    %get3A_36 = vector.load %arg3[%get3A_33, %get3A_34, %get3A_35] : memref<8x4x20480xf32, #tpu.memory_space<vmem>>, vector<8x1x20480xf32>
    %get3A_37 = vector.shape_cast %get3A_36 : vector<8x1x20480xf32> to vector<8x20480xf32>
    %mul3A_38 = arith.mulf %get3A_37, %sub3A_19 : vector<8x20480xf32>
    %add3A_39 = arith.addf %add3A_25, %mul3A_38 : vector<8x20480xf32>
    %get3A_40 = arith.constant 0 : index
    %get3A_41 = arith.constant 2 : index
    %get3A_42 = arith.constant 0 : index
    %get3A_43 = vector.load %arg3[%get3A_40, %get3A_41, %get3A_42] : memref<8x4x20480xf32, #tpu.memory_space<vmem>>, vector<8x1x20480xf32>
    %get3A_44 = vector.shape_cast %get3A_43 : vector<8x1x20480xf32> to vector<8x20480xf32>
    %jit3A = arith.constant -1.000000e+01 : f32
    %jit3A_45 = arith.constant 1.000000e+01 : f32
    %max3A = vector.broadcast %jit3A : f32 to vector<8x20480xf32>
    %max3A_46 = arith.maximumf %max3A, %get3A_44 : vector<8x20480xf32>
    %min3A = vector.broadcast %jit3A_45 : f32 to vector<8x20480xf32>
    %min3A_47 = arith.minimumf %min3A, %max3A_46 : vector<8x20480xf32>
    %exp3A = math.exp %min3A_47 : vector<8x20480xf32>
    %mul3A_48 = arith.mulf %sub3A, %exp3A : vector<8x20480xf32>
    %get3A_49 = arith.constant 0 : index
    %get3A_50 = arith.constant 3 : index
    %get3A_51 = arith.constant 0 : index
    %get3A_52 = vector.load %arg3[%get3A_49, %get3A_50, %get3A_51] : memref<8x4x20480xf32, #tpu.memory_space<vmem>>, vector<8x1x20480xf32>
    %get3A_53 = vector.shape_cast %get3A_52 : vector<8x1x20480xf32> to vector<8x20480xf32>
    %jit3A_54 = arith.constant -1.000000e+01 : f32
    %jit3A_55 = arith.constant 1.000000e+01 : f32
    %max3A_56 = vector.broadcast %jit3A_54 : f32 to vector<8x20480xf32>
    %max3A_57 = arith.maximumf %max3A_56, %get3A_53 : vector<8x20480xf32>
    %min3A_58 = vector.broadcast %jit3A_55 : f32 to vector<8x20480xf32>
    %min3A_59 = arith.minimumf %min3A_58, %max3A_57 : vector<8x20480xf32>
    %exp3A_60 = math.exp %min3A_59 : vector<8x20480xf32>
    %mul3A_61 = arith.mulf %sub3A_19, %exp3A_60 : vector<8x20480xf32>
    %mul3A_62 = arith.constant 5.000000e-01 : f32
    %mul3A_63 = vector.broadcast %mul3A_62 : f32 to vector<8x20480xf32>
    %mul3A_64 = arith.mulf %mul3A_63, %mul3A_48 : vector<8x20480xf32>
    %sub3A_65 = arith.subf %add3A_32, %mul3A_64 : vector<8x20480xf32>
    %mul3A_66 = arith.constant 5.000000e-01 : f32
    %mul3A_67 = vector.broadcast %mul3A_66 : f32 to vector<8x20480xf32>
    %mul3A_68 = arith.mulf %mul3A_67, %mul3A_61 : vector<8x20480xf32>
    %sub3A_69 = arith.subf %add3A_39, %mul3A_68 : vector<8x20480xf32>
    %mul3A_70 = arith.constant 5.000000e-01 : f32
    %mul3A_71 = vector.broadcast %mul3A_70 : f32 to vector<8x20480xf32>
    %mul3A_72 = arith.mulf %mul3A_71, %mul3A_48 : vector<8x20480xf32>
    %add3A_73 = arith.addf %add3A_32, %mul3A_72 : vector<8x20480xf32>
    %mul3A_74 = arith.constant 5.000000e-01 : f32
    %mul3A_75 = vector.broadcast %mul3A_74 : f32 to vector<8x20480xf32>
    %mul3A_76 = arith.mulf %mul3A_75, %mul3A_61 : vector<8x20480xf32>
    %add3A_77 = arith.addf %add3A_39, %mul3A_76 : vector<8x20480xf32>
    %get3A_78 = arith.constant 0 : index
    %get3A_79 = arith.constant 0 : index
    %get3A_80 = vector.load %arg1[%get3A_78, %get3A_79] : memref<8x1xf32, #tpu.memory_space<vmem>>, vector<8x1xf32>
    %get3A_81 = arith.constant 0 : index
    %get3A_82 = arith.constant 0 : index
    %get3A_83 = vector.load %arg0[%get3A_81, %get3A_82] : memref<8x1xf32, #tpu.memory_space<vmem>>, vector<8x1xf32>
    %jit3A_84 = arith.constant 0.000000e+00 : f32
    %max3A_85 = vector.broadcast %jit3A_84 : f32 to vector<8x20480xf32>
    %max3A_86 = arith.maximumf %max3A_85, %sub3A_65 : vector<8x20480xf32>
    %min3A_87 = vector.broadcast %get3A_80 : vector<8x1xf32> to vector<8x20480xf32>
    %min3A_88 = arith.minimumf %min3A_87, %max3A_86 : vector<8x20480xf32>
    %jit3A_89 = arith.constant 0.000000e+00 : f32
    %max3A_90 = vector.broadcast %jit3A_89 : f32 to vector<8x20480xf32>
    %max3A_91 = arith.maximumf %max3A_90, %add3A_73 : vector<8x20480xf32>
    %min3A_92 = vector.broadcast %get3A_80 : vector<8x1xf32> to vector<8x20480xf32>
    %min3A_93 = arith.minimumf %min3A_92, %max3A_91 : vector<8x20480xf32>
    %jit3A_94 = arith.constant 0.000000e+00 : f32
    %max3A_95 = vector.broadcast %jit3A_94 : f32 to vector<8x20480xf32>
    %max3A_96 = arith.maximumf %max3A_95, %sub3A_69 : vector<8x20480xf32>
    %min3A_97 = vector.broadcast %get3A_83 : vector<8x1xf32> to vector<8x20480xf32>
    %min3A_98 = arith.minimumf %min3A_97, %max3A_96 : vector<8x20480xf32>
    %jit3A_99 = arith.constant 0.000000e+00 : f32
    %max3A_100 = vector.broadcast %jit3A_99 : f32 to vector<8x20480xf32>
    %max3A_101 = arith.maximumf %max3A_100, %add3A_77 : vector<8x20480xf32>
    %min3A_102 = vector.broadcast %get3A_83 : vector<8x1xf32> to vector<8x20480xf32>
    %min3A_103 = arith.minimumf %min3A_102, %max3A_101 : vector<8x20480xf32>
    %sub3A_104 = arith.subf %min3A_93, %min3A_88 : vector<8x20480xf32>
    %sub3A_105 = arith.subf %min3A_103, %min3A_98 : vector<8x20480xf32>
    %ge3A = arith.constant 1.600000e+01 : f32
    %ge3A_106 = vector.broadcast %ge3A : f32 to vector<8x20480xf32>
    %ge3A_107 = arith.cmpf oge, %sub3A_104, %ge3A_106 : vector<8x20480xf32>
    %ge3A_108 = arith.constant 1.600000e+01 : f32
    %ge3A_109 = vector.broadcast %ge3A_108 : f32 to vector<8x20480xf32>
    %ge3A_110 = arith.cmpf oge, %sub3A_105, %ge3A_109 : vector<8x20480xf32>
    %and3A = arith.andi %ge3A_107, %ge3A_110 : vector<8x20480xi1>
    %swap3A = arith.constant 0 : index
    %swap3A_111 = arith.constant 0 : index
    %swap3A_112 = vector.load %arg4[%swap3A, %swap3A_111] : memref<8x20480xf32, #tpu.memory_space<vmem>>, vector<8x20480xf32>
    tpu.vector_store %arg4[%swap3A, %swap3A_111], %min3A_88 {strides = array<i32>} : memref<8x20480xf32, #tpu.memory_space<vmem>>, vector<8x20480xf32>,
    %swap3A_113 = arith.constant 0 : index
    %swap3A_114 = arith.constant 0 : index
    %swap3A_115 = vector.load %arg5[%swap3A_113, %swap3A_114] : memref<8x20480xf32, #tpu.memory_space<vmem>>, vector<8x20480xf32>
    tpu.vector_store %arg5[%swap3A_113, %swap3A_114], %min3A_98 {strides = array<i32>} : memref<8x20480xf32, #tpu.memory_space<vmem>>, vector<8x20480xf32>,
    %swap3A_116 = arith.constant 0 : index
    %swap3A_117 = arith.constant 0 : index
    %swap3A_118 = vector.load %arg6[%swap3A_116, %swap3A_117] : memref<8x20480xf32, #tpu.memory_space<vmem>>, vector<8x20480xf32>
    tpu.vector_store %arg6[%swap3A_116, %swap3A_117], %min3A_93 {strides = array<i32>} : memref<8x20480xf32, #tpu.memory_space<vmem>>, vector<8x20480xf32>,
    %swap3A_119 = arith.constant 0 : index
    %swap3A_120 = arith.constant 0 : index
    %swap3A_121 = vector.load %arg7[%swap3A_119, %swap3A_120] : memref<8x20480xf32, #tpu.memory_space<vmem>>, vector<8x20480xf32>
    tpu.vector_store %arg7[%swap3A_119, %swap3A_120], %min3A_103 {strides = array<i32>} : memref<8x20480xf32, #tpu.memory_space<vmem>>, vector<8x20480xf32>,
    %convert_element_type3A = arith.extui %and3A : vector<8x20480xi1> to vector<8x20480xi32>
    %convert_element_type3A_122 = arith.sitofp %convert_element_type3A : vector<8x20480xi32> to vector<8x20480xf32>
    %swap3A_123 = arith.constant 0 : index
    %swap3A_124 = arith.constant 0 : index
    %swap3A_125 = vector.load %arg8[%swap3A_123, %swap3A_124] : memref<8x20480xf32, #tpu.memory_space<vmem>>, vector<8x20480xf32>
    tpu.vector_store %arg8[%swap3A_123, %swap3A_124], %convert_element_type3A_122 {strides = array<i32>} : memref<8x20480xf32, #tpu.memory_space<vmem>>, vector<8x20480xf32>,
    return
  }
}

module attributes {stable_mosaic.version = 14 : i64} {
  func.func @_nms_kernel(%arg0: memref<8x6144xf32, #tpu.memory_space<vmem>>, %arg1: memref<8x6144xf32, #tpu.memory_space<vmem>>, %arg2: memref<8x6144xf32, #tpu.memory_space<vmem>>, %arg3: memref<8x6144xf32, #tpu.memory_space<vmem>>, %arg4: memref<8x6144xf32, #tpu.memory_space<vmem>>, %arg5: memref<8x1024xf32, #tpu.memory_space<vmem>>, %arg6: memref<8x1024xf32, #tpu.memory_space<vmem>>, %arg7: memref<8x1024xf32, #tpu.memory_space<vmem>>, %arg8: memref<8x1024xf32, #tpu.memory_space<vmem>>, %arg9: memref<8x1xf32, #tpu.memory_space<vmem>>, %arg10: memref<8x6144xf32, #tpu.memory_space<vmem>>) attributes {dimension_semantics = [], scalar_prefetch = 0 : i64, scratch_operands = 0 : i64, tpu.core_type = #tpu.core_type<tc>} {
    %broadcast_in_dim3A = arith.constant 0.000000e+00 : f32
    %broadcast_in_dim3A_0 = vector.broadcast %broadcast_in_dim3A : f32 to vector<8x1024xf32>
    %swap3A = arith.constant 0 : index
    %swap3A_1 = arith.constant 0 : index
    %swap3A_2 = vector.load %arg5[%swap3A, %swap3A_1] : memref<8x1024xf32, #tpu.memory_space<vmem>>, vector<8x1024xf32>
    tpu.vector_store %arg5[%swap3A, %swap3A_1], %broadcast_in_dim3A_0 {strides = array<i32>} : memref<8x1024xf32, #tpu.memory_space<vmem>>, vector<8x1024xf32>,
    %broadcast_in_dim3A_3 = arith.constant 0.000000e+00 : f32
    %broadcast_in_dim3A_4 = vector.broadcast %broadcast_in_dim3A_3 : f32 to vector<8x1024xf32>
    %swap3A_5 = arith.constant 0 : index
    %swap3A_6 = arith.constant 0 : index
    %swap3A_7 = vector.load %arg6[%swap3A_5, %swap3A_6] : memref<8x1024xf32, #tpu.memory_space<vmem>>, vector<8x1024xf32>
    tpu.vector_store %arg6[%swap3A_5, %swap3A_6], %broadcast_in_dim3A_4 {strides = array<i32>} : memref<8x1024xf32, #tpu.memory_space<vmem>>, vector<8x1024xf32>,
    %broadcast_in_dim3A_8 = arith.constant 0.000000e+00 : f32
    %broadcast_in_dim3A_9 = vector.broadcast %broadcast_in_dim3A_8 : f32 to vector<8x1024xf32>
    %swap3A_10 = arith.constant 0 : index
    %swap3A_11 = arith.constant 0 : index
    %swap3A_12 = vector.load %arg7[%swap3A_10, %swap3A_11] : memref<8x1024xf32, #tpu.memory_space<vmem>>, vector<8x1024xf32>
    tpu.vector_store %arg7[%swap3A_10, %swap3A_11], %broadcast_in_dim3A_9 {strides = array<i32>} : memref<8x1024xf32, #tpu.memory_space<vmem>>, vector<8x1024xf32>,
    %broadcast_in_dim3A_13 = arith.constant 0.000000e+00 : f32
    %broadcast_in_dim3A_14 = vector.broadcast %broadcast_in_dim3A_13 : f32 to vector<8x1024xf32>
    %swap3A_15 = arith.constant 0 : index
    %swap3A_16 = arith.constant 0 : index
    %swap3A_17 = vector.load %arg8[%swap3A_15, %swap3A_16] : memref<8x1024xf32, #tpu.memory_space<vmem>>, vector<8x1024xf32>
    tpu.vector_store %arg8[%swap3A_15, %swap3A_16], %broadcast_in_dim3A_14 {strides = array<i32>} : memref<8x1024xf32, #tpu.memory_space<vmem>>, vector<8x1024xf32>,
    %get3A = arith.constant 0 : index
    %get3A_18 = arith.constant 0 : index
    %get3A_19 = vector.load %arg4[%get3A, %get3A_18] : memref<8x6144xf32, #tpu.memory_space<vmem>>, vector<8x6144xf32>
    %sub3A = arith.constant 1.000000e+00 : f32
    %sub3A_20 = vector.broadcast %sub3A : f32 to vector<8x6144xf32>
    %sub3A_21 = arith.subf %sub3A_20, %get3A_19 : vector<8x6144xf32>
    %swap3A_22 = arith.constant 0 : index
    %swap3A_23 = arith.constant 0 : index
    %swap3A_24 = vector.load %arg10[%swap3A_22, %swap3A_23] : memref<8x6144xf32, #tpu.memory_space<vmem>>, vector<8x6144xf32>
    tpu.vector_store %arg10[%swap3A_22, %swap3A_23], %sub3A_21 {strides = array<i32>} : memref<8x6144xf32, #tpu.memory_space<vmem>>, vector<8x6144xf32>,
    %get3A_25 = arith.constant 0 : index
    %get3A_26 = arith.constant 0 : index
    %get3A_27 = vector.load %arg0[%get3A_25, %get3A_26] : memref<8x6144xf32, #tpu.memory_space<vmem>>, vector<8x6144xf32>
    %get3A_28 = arith.constant 0 : index
    %get3A_29 = arith.constant 0 : index
    %get3A_30 = vector.load %arg1[%get3A_28, %get3A_29] : memref<8x6144xf32, #tpu.memory_space<vmem>>, vector<8x6144xf32>
    %get3A_31 = arith.constant 0 : index
    %get3A_32 = arith.constant 0 : index
    %get3A_33 = vector.load %arg2[%get3A_31, %get3A_32] : memref<8x6144xf32, #tpu.memory_space<vmem>>, vector<8x6144xf32>
    %get3A_34 = arith.constant 0 : index
    %get3A_35 = arith.constant 0 : index
    %get3A_36 = vector.load %arg3[%get3A_34, %get3A_35] : memref<8x6144xf32, #tpu.memory_space<vmem>>, vector<8x6144xf32>
    %sub3A_37 = arith.subf %get3A_33, %get3A_27 : vector<8x6144xf32>
    %sub3A_38 = arith.subf %get3A_36, %get3A_30 : vector<8x6144xf32>
    %mul3A = arith.mulf %sub3A_37, %sub3A_38 : vector<8x6144xf32>
    %iota3A = tpu.iota {dimensions = array<i32: 1>} : vector<8x1024xi32>
    %iota3A_39 = tpu.iota {dimensions = array<i32: 1>} : vector<8x128xi32>
    %broadcast_in_dim3A_40 = arith.constant 0.000000e+00 : f32
    %broadcast_in_dim3A_41 = vector.broadcast %broadcast_in_dim3A_40 : f32 to vector<8x1xf32>
    %while3A = arith.constant 0 : i32
    %while3A_42:2 = scf.while (%while3A_46 = %while3A, %while3A_47 = %broadcast_in_dim3A_41) : (i32, vector<8x1xf32>) -> (i32, vector<8x1xf32>) {
      %lt3A = arith.constant 48 : i32
      %lt3A_48 = arith.cmpi slt, %while3A_46, %lt3A : i32
      %reduce_min3A = vector.shape_cast %while3A_47 : vector<8x1xf32> to vector<1x8x1xf32>
      %reduce_min3A_49 = arith.constant dense<0x7F800000> : vector<1xf32>
      %reduce_min3A_50 = vector.multi_reduction <minimumf>, %reduce_min3A, %reduce_min3A_49 [1, 2] : vector<1x8x1xf32> to vector<1xf32>
      %reduce_min3A_51 = vector.shape_cast %reduce_min3A_50 : vector<1xf32> to vector<1x1x1xf32>
      %reduce_min3A_52 = vector.extract %reduce_min3A_51[0, 0, 0] : f32 from vector<1x1x1xf32>
      %lt3A_53 = arith.constant 1.000000e+03 : f32
      %lt3A_54 = arith.cmpf olt, %reduce_min3A_52, %lt3A_53 : f32
      %and3A = arith.andi %lt3A_48, %lt3A_54 : i1
      scf.condition(%and3A) %while3A_46, %while3A_47 : i32, vector<8x1xf32>
    } do {
    ^bb0(%while3A_46: i32, %while3A_47: vector<8x1xf32>):
      %mul3A_48 = arith.constant 128 : i32
      %mul3A_49 = arith.muli %while3A_46, %mul3A_48 : i32
      %multiple_of3A = tpu.assume_multiple %mul3A_49, 128 : i32
      %get3A_50 = arith.constant 0 : index
      %get3A_51 = arith.index_cast %multiple_of3A : i32 to index
      %get3A_52 = vector.load %arg0[%get3A_50, %get3A_51] : memref<8x6144xf32, #tpu.memory_space<vmem>>, vector<8x128xf32>
      %get3A_53 = arith.constant 0 : index
      %get3A_54 = arith.index_cast %multiple_of3A : i32 to index
      %get3A_55 = vector.load %arg1[%get3A_53, %get3A_54] : memref<8x6144xf32, #tpu.memory_space<vmem>>, vector<8x128xf32>
      %get3A_56 = arith.constant 0 : index
      %get3A_57 = arith.index_cast %multiple_of3A : i32 to index
      %get3A_58 = vector.load %arg2[%get3A_56, %get3A_57] : memref<8x6144xf32, #tpu.memory_space<vmem>>, vector<8x128xf32>
      %get3A_59 = arith.constant 0 : index
      %get3A_60 = arith.index_cast %multiple_of3A : i32 to index
      %get3A_61 = vector.load %arg3[%get3A_59, %get3A_60] : memref<8x6144xf32, #tpu.memory_space<vmem>>, vector<8x128xf32>
      %scan3A = arith.constant 0 : i32
      %scan3A_62 = arith.constant 128 : i32
      %scan3A_63 = arith.addi %scan3A, %scan3A_62 : i32
      %scan3A_64 = arith.constant 1 : i32
      %scan3A_65 = scf.for %scan3A_68 = %scan3A to %scan3A_63 step %scan3A_64 iter_args(%scan3A_69 = %while3A_47) -> (vector<8x1xf32>)  : i32 {
        %eq3A = vector.broadcast %scan3A_68 : i32 to vector<8x128xi32>
        %eq3A_70 = arith.cmpi eq, %iota3A_39, %eq3A : vector<8x128xi32>
        %get3A_71 = arith.constant 0 : index
        %get3A_72 = arith.index_cast %multiple_of3A : i32 to index
        %get3A_73 = vector.load %arg10[%get3A_71, %get3A_72] : memref<8x6144xf32, #tpu.memory_space<vmem>>, vector<8x128xf32>
        %jit3A = arith.constant 0.000000e+00 : f32
        %broadcast_in_dim3A_74 = vector.broadcast %jit3A : f32 to vector<8x128xf32>
        %select_n3A = arith.select %eq3A_70, %get3A_73, %broadcast_in_dim3A_74 : vector<8x128xi1>, vector<8x128xf32>
        %reduce_sum3A = arith.constant dense<0.000000e+00> : vector<8xf32>
        %reduce_sum3A_75 = vector.multi_reduction <add>, %select_n3A, %reduce_sum3A [1] : vector<8x128xf32> to vector<8xf32>
        %broadcast_in_dim3A_76 = vector.shape_cast %reduce_sum3A_75 : vector<8xf32> to vector<8x1xf32>
        %sub3A_77 = arith.constant 1.000000e+00 : f32
        %sub3A_78 = vector.broadcast %sub3A_77 : f32 to vector<8x1xf32>
        %sub3A_79 = arith.subf %sub3A_78, %broadcast_in_dim3A_76 : vector<8x1xf32>
        %jit3A_80 = arith.constant 0.000000e+00 : f32
        %broadcast_in_dim3A_81 = vector.broadcast %jit3A_80 : f32 to vector<8x128xf32>
        %select_n3A_82 = arith.select %eq3A_70, %get3A_52, %broadcast_in_dim3A_81 : vector<8x128xi1>, vector<8x128xf32>
        %reduce_sum3A_83 = arith.constant dense<0.000000e+00> : vector<8xf32>
        %reduce_sum3A_84 = vector.multi_reduction <add>, %select_n3A_82, %reduce_sum3A_83 [1] : vector<8x128xf32> to vector<8xf32>
        %broadcast_in_dim3A_85 = vector.shape_cast %reduce_sum3A_84 : vector<8xf32> to vector<8x1xf32>
        %jit3A_86 = arith.constant 0.000000e+00 : f32
        %broadcast_in_dim3A_87 = vector.broadcast %jit3A_86 : f32 to vector<8x128xf32>
        %select_n3A_88 = arith.select %eq3A_70, %get3A_55, %broadcast_in_dim3A_87 : vector<8x128xi1>, vector<8x128xf32>
        %reduce_sum3A_89 = arith.constant dense<0.000000e+00> : vector<8xf32>
        %reduce_sum3A_90 = vector.multi_reduction <add>, %select_n3A_88, %reduce_sum3A_89 [1] : vector<8x128xf32> to vector<8xf32>
        %broadcast_in_dim3A_91 = vector.shape_cast %reduce_sum3A_90 : vector<8xf32> to vector<8x1xf32>
        %jit3A_92 = arith.constant 0.000000e+00 : f32
        %broadcast_in_dim3A_93 = vector.broadcast %jit3A_92 : f32 to vector<8x128xf32>
        %select_n3A_94 = arith.select %eq3A_70, %get3A_58, %broadcast_in_dim3A_93 : vector<8x128xi1>, vector<8x128xf32>
        %reduce_sum3A_95 = arith.constant dense<0.000000e+00> : vector<8xf32>
        %reduce_sum3A_96 = vector.multi_reduction <add>, %select_n3A_94, %reduce_sum3A_95 [1] : vector<8x128xf32> to vector<8xf32>
        %broadcast_in_dim3A_97 = vector.shape_cast %reduce_sum3A_96 : vector<8xf32> to vector<8x1xf32>
        %jit3A_98 = arith.constant 0.000000e+00 : f32
        %broadcast_in_dim3A_99 = vector.broadcast %jit3A_98 : f32 to vector<8x128xf32>
        %select_n3A_100 = arith.select %eq3A_70, %get3A_61, %broadcast_in_dim3A_99 : vector<8x128xi1>, vector<8x128xf32>
        %reduce_sum3A_101 = arith.constant dense<0.000000e+00> : vector<8xf32>
        %reduce_sum3A_102 = vector.multi_reduction <add>, %select_n3A_100, %reduce_sum3A_101 [1] : vector<8x128xf32> to vector<8xf32>
        %broadcast_in_dim3A_103 = vector.shape_cast %reduce_sum3A_102 : vector<8xf32> to vector<8x1xf32>
        %max3A = vector.broadcast %broadcast_in_dim3A_85 : vector<8x1xf32> to vector<8x6144xf32>
        %max3A_104 = arith.maximumf %max3A, %get3A_27 : vector<8x6144xf32>
        %max3A_105 = vector.broadcast %broadcast_in_dim3A_91 : vector<8x1xf32> to vector<8x6144xf32>
        %max3A_106 = arith.maximumf %max3A_105, %get3A_30 : vector<8x6144xf32>
        %min3A = vector.broadcast %broadcast_in_dim3A_97 : vector<8x1xf32> to vector<8x6144xf32>
        %min3A_107 = arith.minimumf %min3A, %get3A_33 : vector<8x6144xf32>
        %min3A_108 = vector.broadcast %broadcast_in_dim3A_103 : vector<8x1xf32> to vector<8x6144xf32>
        %min3A_109 = arith.minimumf %min3A_108, %get3A_36 : vector<8x6144xf32>
        %sub3A_110 = arith.subf %min3A_107, %max3A_104 : vector<8x6144xf32>
        %max3A_111 = arith.constant 0.000000e+00 : f32
        %max3A_112 = vector.broadcast %max3A_111 : f32 to vector<8x6144xf32>
        %max3A_113 = arith.maximumf %sub3A_110, %max3A_112 : vector<8x6144xf32>
        %sub3A_114 = arith.subf %min3A_109, %max3A_106 : vector<8x6144xf32>
        %max3A_115 = arith.constant 0.000000e+00 : f32
        %max3A_116 = vector.broadcast %max3A_115 : f32 to vector<8x6144xf32>
        %max3A_117 = arith.maximumf %sub3A_114, %max3A_116 : vector<8x6144xf32>
        %mul3A_118 = arith.mulf %max3A_113, %max3A_117 : vector<8x6144xf32>
        %sub3A_119 = arith.subf %broadcast_in_dim3A_97, %broadcast_in_dim3A_85 : vector<8x1xf32>
        %sub3A_120 = arith.subf %broadcast_in_dim3A_103, %broadcast_in_dim3A_91 : vector<8x1xf32>
        %mul3A_121 = arith.mulf %sub3A_119, %sub3A_120 : vector<8x1xf32>
        %add3A_122 = vector.broadcast %mul3A_121 : vector<8x1xf32> to vector<8x6144xf32>
        %add3A_123 = arith.addf %mul3A, %add3A_122 : vector<8x6144xf32>
        %sub3A_124 = arith.subf %add3A_123, %mul3A_118 : vector<8x6144xf32>
        %add3A_125 = arith.constant 9.99999971E-10 : f32
        %add3A_126 = vector.broadcast %add3A_125 : f32 to vector<8x6144xf32>
        %add3A_127 = arith.addf %sub3A_124, %add3A_126 : vector<8x6144xf32>
        %div3A = arith.divf %mul3A_118, %add3A_127 : vector<8x6144xf32>
        %get3A_128 = arith.constant 0 : index
        %get3A_129 = arith.constant 0 : index
        %get3A_130 = vector.load %arg10[%get3A_128, %get3A_129] : memref<8x6144xf32, #tpu.memory_space<vmem>>, vector<8x6144xf32>
        %gt3A = arith.constant 0.699999988 : f32
        %gt3A_131 = vector.broadcast %gt3A : f32 to vector<8x6144xf32>
        %gt3A_132 = arith.cmpf ogt, %div3A, %gt3A_131 : vector<8x6144xf32>
        %jit3A_133 = arith.constant 0.000000e+00 : f32
        %broadcast_in_dim3A_134 = vector.shape_cast %sub3A_79 : vector<8x1xf32> to vector<8x1xf32>
        %broadcast_in_dim3A_135 = vector.broadcast %broadcast_in_dim3A_134 : vector<8x1xf32> to vector<8x6144xf32>
        %broadcast_in_dim3A_136 = vector.broadcast %jit3A_133 : f32 to vector<8x6144xf32>
        %select_n3A_137 = arith.select %gt3A_132, %broadcast_in_dim3A_135, %broadcast_in_dim3A_136 : vector<8x6144xi1>, vector<8x6144xf32>
        %max3A_138 = arith.maximumf %get3A_130, %select_n3A_137 : vector<8x6144xf32>
        %swap3A_139 = arith.constant 0 : index
        %swap3A_140 = arith.constant 0 : index
        %swap3A_141 = vector.load %arg10[%swap3A_139, %swap3A_140] : memref<8x6144xf32, #tpu.memory_space<vmem>>, vector<8x6144xf32>
        tpu.vector_store %arg10[%swap3A_139, %swap3A_140], %max3A_138 {strides = array<i32>} : memref<8x6144xf32, #tpu.memory_space<vmem>>, vector<8x6144xf32>,
        %convert_element_type3A = arith.fptosi %scan3A_69 : vector<8x1xf32> to vector<8x1xi32>
        %eq3A_142 = vector.broadcast %convert_element_type3A : vector<8x1xi32> to vector<8x1024xi32>
        %eq3A_143 = arith.cmpi eq, %iota3A, %eq3A_142 : vector<8x1024xi32>
        %gt3A_144 = arith.constant 0.000000e+00 : f32
        %gt3A_145 = vector.broadcast %gt3A_144 : f32 to vector<8x1xf32>
        %gt3A_146 = arith.cmpf ogt, %sub3A_79, %gt3A_145 : vector<8x1xf32>
        %and3A = vector.broadcast %gt3A_146 : vector<8x1xi1> to vector<8x1024xi1>
        %and3A_147 = arith.andi %eq3A_143, %and3A : vector<8x1024xi1>
        %get3A_148 = arith.constant 0 : index
        %get3A_149 = arith.constant 0 : index
        %get3A_150 = vector.load %arg5[%get3A_148, %get3A_149] : memref<8x1024xf32, #tpu.memory_space<vmem>>, vector<8x1024xf32>
        %broadcast_in_dim3A_151 = vector.shape_cast %broadcast_in_dim3A_85 : vector<8x1xf32> to vector<8x1xf32>
        %broadcast_in_dim3A_152 = vector.broadcast %broadcast_in_dim3A_151 : vector<8x1xf32> to vector<8x1024xf32>
        %select_n3A_153 = arith.select %and3A_147, %broadcast_in_dim3A_152, %get3A_150 : vector<8x1024xi1>, vector<8x1024xf32>
        %swap3A_154 = arith.constant 0 : index
        %swap3A_155 = arith.constant 0 : index
        %swap3A_156 = vector.load %arg5[%swap3A_154, %swap3A_155] : memref<8x1024xf32, #tpu.memory_space<vmem>>, vector<8x1024xf32>
        tpu.vector_store %arg5[%swap3A_154, %swap3A_155], %select_n3A_153 {strides = array<i32>} : memref<8x1024xf32, #tpu.memory_space<vmem>>, vector<8x1024xf32>,
        %get3A_157 = arith.constant 0 : index
        %get3A_158 = arith.constant 0 : index
        %get3A_159 = vector.load %arg6[%get3A_157, %get3A_158] : memref<8x1024xf32, #tpu.memory_space<vmem>>, vector<8x1024xf32>
        %broadcast_in_dim3A_160 = vector.shape_cast %broadcast_in_dim3A_91 : vector<8x1xf32> to vector<8x1xf32>
        %broadcast_in_dim3A_161 = vector.broadcast %broadcast_in_dim3A_160 : vector<8x1xf32> to vector<8x1024xf32>
        %select_n3A_162 = arith.select %and3A_147, %broadcast_in_dim3A_161, %get3A_159 : vector<8x1024xi1>, vector<8x1024xf32>
        %swap3A_163 = arith.constant 0 : index
        %swap3A_164 = arith.constant 0 : index
        %swap3A_165 = vector.load %arg6[%swap3A_163, %swap3A_164] : memref<8x1024xf32, #tpu.memory_space<vmem>>, vector<8x1024xf32>
        tpu.vector_store %arg6[%swap3A_163, %swap3A_164], %select_n3A_162 {strides = array<i32>} : memref<8x1024xf32, #tpu.memory_space<vmem>>, vector<8x1024xf32>,
        %get3A_166 = arith.constant 0 : index
        %get3A_167 = arith.constant 0 : index
        %get3A_168 = vector.load %arg7[%get3A_166, %get3A_167] : memref<8x1024xf32, #tpu.memory_space<vmem>>, vector<8x1024xf32>
        %broadcast_in_dim3A_169 = vector.shape_cast %broadcast_in_dim3A_97 : vector<8x1xf32> to vector<8x1xf32>
        %broadcast_in_dim3A_170 = vector.broadcast %broadcast_in_dim3A_169 : vector<8x1xf32> to vector<8x1024xf32>
        %select_n3A_171 = arith.select %and3A_147, %broadcast_in_dim3A_170, %get3A_168 : vector<8x1024xi1>, vector<8x1024xf32>
        %swap3A_172 = arith.constant 0 : index
        %swap3A_173 = arith.constant 0 : index
        %swap3A_174 = vector.load %arg7[%swap3A_172, %swap3A_173] : memref<8x1024xf32, #tpu.memory_space<vmem>>, vector<8x1024xf32>
        tpu.vector_store %arg7[%swap3A_172, %swap3A_173], %select_n3A_171 {strides = array<i32>} : memref<8x1024xf32, #tpu.memory_space<vmem>>, vector<8x1024xf32>,
        %get3A_175 = arith.constant 0 : index
        %get3A_176 = arith.constant 0 : index
        %get3A_177 = vector.load %arg8[%get3A_175, %get3A_176] : memref<8x1024xf32, #tpu.memory_space<vmem>>, vector<8x1024xf32>
        %broadcast_in_dim3A_178 = vector.shape_cast %broadcast_in_dim3A_103 : vector<8x1xf32> to vector<8x1xf32>
        %broadcast_in_dim3A_179 = vector.broadcast %broadcast_in_dim3A_178 : vector<8x1xf32> to vector<8x1024xf32>
        %select_n3A_180 = arith.select %and3A_147, %broadcast_in_dim3A_179, %get3A_177 : vector<8x1024xi1>, vector<8x1024xf32>
        %swap3A_181 = arith.constant 0 : index
        %swap3A_182 = arith.constant 0 : index
        %swap3A_183 = vector.load %arg8[%swap3A_181, %swap3A_182] : memref<8x1024xf32, #tpu.memory_space<vmem>>, vector<8x1024xf32>
        tpu.vector_store %arg8[%swap3A_181, %swap3A_182], %select_n3A_180 {strides = array<i32>} : memref<8x1024xf32, #tpu.memory_space<vmem>>, vector<8x1024xf32>,
        %add3A_184 = arith.addf %scan3A_69, %sub3A_79 : vector<8x1xf32>
        scf.yield %add3A_184 : vector<8x1xf32>
      }
      %scan3A_66 = arith.constant 128 : i32
      %add3A = arith.constant 1 : i32
      %add3A_67 = arith.addi %while3A_46, %add3A : i32
      scf.yield %add3A_67, %scan3A_65 : i32, vector<8x1xf32>
    }
    %swap3A_43 = arith.constant 0 : index
    %swap3A_44 = arith.constant 0 : index
    %swap3A_45 = vector.load %arg9[%swap3A_43, %swap3A_44] : memref<8x1xf32, #tpu.memory_space<vmem>>, vector<8x1xf32>
    tpu.vector_store %arg9[%swap3A_43, %swap3A_44], %while3A_42#1 {strides = array<i32>} : memref<8x1xf32, #tpu.memory_space<vmem>>, vector<8x1xf32>,
    return
  }
}

</mosaic_0001>

<sc_bundles>
// kernel: gather_offload_async_start.1
scs
__scs_entry_jumppad:
0x0: {  	(pc) =	sbr.rel $0x88, $3  }
0x1: {  	(tag) =	ssettag $0x0;
	lr =	simm.s32 $0x1  }
0x2: {  	[smem:$0x3F9D] =	sst lr;
	_ =	strace $0xD0000000  }
0x3: {  	_ = 	snop  }
0x4: {  	_ = 	snop  }
0x5: {  	_ = 	snop  }
0x6: {  	_ = 	snop  }
0x7: {  	_ = 	snop  }
__scs_overlays_trampoline_lowered:
0x8: {  	[smem:$0x3FAC] =	sst s0  }
0x9: {  	[smem:$0x3FAD] =	sst s1  }
0xa: {  	[smem:$0x3FAE] =	sst s2  }
0xb: {  	[smem:$0x3FAF] =	sst s3  }
0xc: {  	[smem:$0x3FB0] =	sst s4  }
0xd: {  	[smem:$0x3FB1] =	sst s5  }
0xe: {  	[smem:$0x3FB2] =	sst s6  }
0xf: {  	[smem:$0x3FB3] =	sst s7  }
0x10: {  	[smem:$0x3FB4] =	sst s8  }
0x11: {  	[smem:$0x3FB5] =	sst s9;
	s0 =	simm.s32 @!p0 $0x0  }
0x12: {  	s1 =	sld [smem:$0x3F9B];
	s0 =	simm.s32 @p0 $0x1  }
0x13: {  	[smem:$0x3FB6] =	sst s0;
	s0 =	simm.s32 @!p1 $0x0  }
0x14: {  	s2 =	sld [smem:$0x3F9A];
	s0 =	simm.s32 @p1 $0x1  }
0x15: {  	[smem:$0x3FB7] =	sst s0;
	s0 =	simm.s32 @!p2 $0x0  }
0x16: {  	s3 =	sld [smem:$0x3FDB];
	s0 =	simm.s32 @p2 $0x1  }
0x17: {  	s4 =	simm.s32 $0x1BF5;
	[smem:$0x3FB9] =	sst s0  }
0x18: {  	s0 =	sld [smem:$0x3F9C];
	_ =	swait.ge [sflag:s4], $0x0  }
0x19: {  	s7 =	sld [smem:$0x3F9D]  }
0x1a: {  	s8 =	sadd.s32 $0xFFFFE003, lr  }
0x1b: {  	s9 =	sadd.s32 $0xFFFFFEF7, lr;
	s5 =	simm.s32 $0xFFFFFFFF;
	p2 =	slt.u32 s8, $0xFFFFF086  }
0x1c: {  	p1 =	slt.u32 s9, $0xF7A;
	s5 =	simm.s32 @!p2 $0x0  }
0x1d: {  	s5 =	simm.s32 @p1 $0x1;
	p0 =	seq.s32 s7, s2  }
0x1e: {  	s7 =	smul.u32 @!p0 $0xF7A, s2;
	p2 =	seq.s32 @!p0 s5, $0x0  }
0x1f: {  	s9 =	smul.u32 $0xF7A, s1;
	s8 =	simm.s32 @!p0 $0x1BF5;
	p2 =	por !p2, p0  }
0x20: {  	[sflag:s8] =	ssyncset.s32 @!p0 $0xFFFFF086;
	s6 =	sadd.s32 @!p0 s3, s7;
	s7 =	simm.s32 @!p0 $0x108  }
0x21: {  	s3 =	sadd.s32 s3, s9;
	s6 =	sadd.s32 @!p0 $0x88, s6;
	s7 =	simm.s32 @p2 $0x1082  }
0x22: {  	[simem:s7], [sflag:s8] =	dma.local @!p0 [hbm:s6], $0xF7A  }
0x23: {  	s9 =	sor.u32 $0xD0000000, s2;
	s6 =	simm.s32 $0x108;
	_ =	swait.ge @!p0 [sflag:s8], $0x0  }
0x24: {  	s3 =	sadd.s32 $0x88, s3;
	s6 =	simm.s32 @!p1 $0x1082;
	[sflag:s4] =	ssyncset.s32 $0xFFFFF086  }
0x25: {  	[simem:s6], [sflag:s4] =	dma.local [hbm:s3], $0xF7A  }
0x26: {  	[smem:$0x3F9D] =	sst s1;
	(tag) =	ssettag s2;
	_ =	strace s9  }
0x27: {  	s1 =	sld [smem:$0x3FAD]  }
0x28: {  	s2 =	sld [smem:$0x3FAE]  }
0x29: {  	s4 =	sld [smem:$0x3FB0]  }
0x2a: {  	p0 =	seq.s32 s5, $0x0;
	s5 =	sld [smem:$0x3FB1]  }
0x2b: {  	s6 =	sld [smem:$0x3FB2]  }
0x2c: {  	s7 =	sld [smem:$0x3FB3]  }
0x2d: {  	s3 =	simm.s32 $0x108;
	s8 =	sld [smem:$0x3FB4]  }
0x2e: {  	s3 =	simm.s32 @!p0 $0x1082;
	s9 =	sld [smem:$0x3FB5]  }
0x2f: {  	lr =	sadd.s32 s0, s3;
	s0 =	sld [smem:$0x3FAC]  }
0x30: {  	s3 =	sld [smem:$0x3FAF]  }
0x31: {  	[smem:$0x3FB8] =	sst s10  }
0x32: {  	s10 =	sld [smem:$0x3FB6];
	_ =	sdelay $0x3  }
0x33: {  	p0 =	seq.s32 s10, $0x1;
	s10 =	sld [smem:$0x3FB8];
	_ =	sdelay $0x3  }
0x34: {  	[smem:$0x3FB8] =	sst s10  }
0x35: {  	s10 =	sld [smem:$0x3FB7];
	_ =	sdelay $0x3  }
0x36: {  	p1 =	seq.s32 s10, $0x1;
	s10 =	sld [smem:$0x3FB8];
	_ =	sdelay $0x3  }
0x37: {  	[smem:$0x3FB8] =	sst s10  }
0x38: {  	s10 =	sld [smem:$0x3FB9]  }
0x39: {  	_ = 	snop;
	(pc) =	sbr.ind lr, $3  }
0x3a: {  	_ = 	snop  }
0x3b: {  	_ = 	snop  }
0x3c: {  	p2 =	seq.s32 s10, $0x1;
	s10 =	sld [smem:$0x3FB8]  }
0x3d: {  	_ =	shalt  }
0x3e: {  	_ =	shalt  }
0x3f: {  	_ =	shalt  }
0x40: {  	_ =	shalt  }
0x41: {  	_ =	shalt  }
0x42: {  	_ =	shalt  }
0x43: {  	_ =	shalt  }
0x44: {  	_ =	shalt  }
0x45: {  	_ =	shalt  }
0x46: {  	_ =	shalt  }
0x47: {  	_ =	shalt  }
0x48: {  	_ =	shalt  }
0x49: {  	_ =	shalt  }
0x4a: {  	_ =	shalt  }
0x4b: {  	_ =	shalt  }
0x4c: {  	_ =	shalt  }
0x4d: {  	_ =	shalt  }
0x4e: {  	_ =	shalt  }
0x4f: {  	_ =	shalt  }
0x50: {  	_ =	shalt  }
0x51: {  	_ =	shalt  }
0x52: {  	_ =	shalt  }
0x53: {  	_ =	shalt  }
0x54: {  	_ =	shalt  }
0x55: {  	_ =	shalt  }
0x56: {  	_ =	shalt  }
0x57: {  	_ =	shalt  }
0x58: {  	_ =	shalt  }
0x59: {  	_ =	shalt  }
0x5a: {  	_ =	shalt  }
0x5b: {  	_ =	shalt  }
0x5c: {  	_ =	shalt  }
0x5d: {  	_ =	shalt  }
0x5e: {  	_ =	shalt  }
0x5f: {  	_ =	shalt  }
0x60: {  	_ =	shalt  }
0x61: {  	_ =	shalt  }
0x62: {  	_ =	shalt  }
0x63: {  	_ =	shalt  }
0x64: {  	_ =	shalt  }
0x65: {  	_ =	shalt  }
0x66: {  	_ =	shalt  }
0x67: {  	_ =	shalt  }
0x68: {  	_ =	shalt  }
0x69: {  	_ =	shalt  }
0x6a: {  	_ =	shalt  }
0x6b: {  	_ =	shalt  }
0x6c: {  	_ =	shalt  }
0x6d: {  	_ =	shalt  }
0x6e: {  	_ =	shalt  }
0x6f: {  	_ =	shalt  }
0x70: {  	_ =	shalt  }
0x71: {  	_ =	shalt  }
0x72: {  	_ =	shalt  }
0x73: {  	_ =	shalt  }
0x74: {  	_ =	shalt  }
0x75: {  	_ =	shalt  }
0x76: {  	_ =	shalt  }
0x77: {  	_ =	shalt  }
0x78: {  	_ =	shalt  }
0x79: {  	_ =	shalt  }
0x7a: {  	_ =	shalt  }
0x7b: {  	_ =	shalt  }
0x7c: {  	_ =	shalt  }
0x7d: {  	_ =	shalt  }
0x7e: {  	_ =	shalt  }
0x7f: {  	_ =	shalt  }
0x80: {  	_ =	shalt  }
0x81: {  	_ =	shalt  }
0x82: {  	_ =	shalt  }
0x83: {  	_ =	shalt  }
0x84: {  	_ =	shalt  }
0x85: {  	_ =	shalt  }
0x86: {  	_ =	shalt  }
0x87: {  	_ =	shalt  }
.Lfunc_end0:
.L_simem_size_0:
called_computation.1_lowered:
.L_overlay_start_0:
0x88: {  	s2 =	sld [smem:$0x3FD9]  }
0x89: {  	s3 =	sld [smem:$0x3FFE];
	_ =	sdelay $0x1  }
0x8a: {  	s1 =	srdreg.scid  }
0x8b: {  	s0 =	sand.u32 $0x1, s1  }
0x8c: {  	s16 =	sshll.u32 s0, $0xA;
	s2 =	sadd.s32 s3, s2  }
0x8d: {  	s2 =	sadd.s32 s2, s16  }
0x8e: {  	[smem:$0x3FC4] =	sst s2  }
0x8f: {  	_ = 	snop  }
0x90: {  	(tm) =	ssettm $0x1  }
0x91: {  	s17 =	sld [smem:$0x3FFB];
	_ =	sdelay $0x3  }
0x92: {  	_ =	strace s17  }
0x93: {  	s2 =	sld [smem:$0x3FFC];
	_ =	sdelay $0x3  }
0x94: {  	_ =	strace s2  }
0x95: {  	s2 =	sld [smem:$0x3FFD];
	_ =	sdelay $0x3  }
0x96: {  	_ =	strace s2  }
0x97: {  	_ =	strace $0x8FFFFFFF  }
0x98: {  	s18 =	sld [smem:$0x3FDB];
	_ =	sdelay $0x1  }
0x99: {  	s19 =	simm.s32 $_scs_section_size  }
0x9a: {  	s4 =	simm.s32 $_size__tile_overlayer_lowered;
	s5 =	simm.s32 $_tile_overlayer_lowered  }
0x9b: {  	s22 =	simm.s32 $0x1BFF;
	s21 =	sshll.u32 s5, $0x1;
	s2 =	sadd.s32 s19, s18  }
0x9c: {  	s6 =	simm.s32 $0x0;
	s20 =	sshll.u32 s4, $0x1;
	s4 =	sadd.s32 s21, s2  }
0x9d: {  	[timem:s6], [sflag:s22] =	dma.local [hbm:s4], s20  }
0x9e: {  	_ =	swait.ge [sflag:s22], s20  }
0x9f: {  	s3 =	ssub.s32 $0x0, s20;
	[sflag:s22] =	ssyncset.done $0x0  }
0xa0: {  	[sflag:s22] =	ssyncadd.s32 s3;
	_ =	sdelay $0x1  }
0xa1: {  	s23 =	simm.s32 $0x1B8B  }
0xa2: {  	_ =	swait.ge [sflag:s23], $0x1  }
0xa3: {  	[sflag:s23] =	ssyncset.done $0x0  }
0xa4: {  	s25 =	simm.s32 $0x1B8E;
	s24 =	sld [smem:$0x3FFE];
	[sflag:s23] =	ssyncadd.s32 $0xFFFFFFFF  }
0xa5: {  	s26 =	simm.s32 $execute0_lowered;
	[smem:$0x3FD2] =	sst s25  }
0xa6: {  	s4 =	sshll.u32 s26, $0x1;
	_ =	strace $0x8000004C;
	[dreg:$0x1] =	wrdreg $0xFFFFFFFF  }
0xa7: {  	s28 =	simm.s32 $_size_execute0_lowered;
	s2 =	sadd.s32 s2, s4;
	[dreg:$0x0] =	wrdreg $0x0  }
0xa8: {  	s4 =	sshll.u32 s28, $0x1;
	[dreg:$0x2] =	wrdreg s2  }
0xa9: {  	[dreg:$0x3] =	wrdreg s4  }
0xaa: {  	[dreg:$0x4] =	wrdreg $0xC0  }
0xab: {  	_ =	task [dreg:s6], $0x5FFFF  }
0xac: {  	[dreg:$0x1] =	wrdreg $0xFFFFFFFF  }
0xad: {  	[dreg:$0x0] =	wrdreg $0x60  }
0xae: {  	[dreg:$0x2] =	wrdreg s24  }
0xaf: {  	[dreg:$0x3] =	wrdreg $0x9  }
0xb0: {  	_ =	task.clear_ibuf [dreg:s6], $0x4FFFF;
	_ =	strace $0x9000004C  }
0xb1: {  	s29 =	simm.s32 $0x9;
	_ =	strace $0x8000004E  }
0xb2: {  	_ =	swait.ge [sflag:s29], $0x1  }
0xb3: {  	[sflag:s29] =	ssyncadd.s32 $0xFFFFFFFF  }
0xb4: {  	_ =	strace $0x9000004E  }
0xb5: {  	_ =	sfence  }
0xb6: {  	s30 =	sld [smem:$0x0];
	_ =	sdelay $0x2  }
0xb7: {  	s31 =	sshll.u32 s1, $0xD;
	s1 =	sshrl.u32 s1, $0x2  }
0xb8: {  	s3 =	sand.u32 $0x4000, s31;
	s1 =	sadd.s32 s1, s30  }
0xb9: {  	s0 =	sor.u32 s3, s0;
	s1 =	sshll.u32 s1, $0x11  }
0xba: {  	s0 =	sor.u32 s1, s0  }
0xbb: {  	s0 =	sadd.s32 $0x8F2B, s0  }
0xbc: {  	[sflag:s0] =	ssyncadd.remote.s32 $0x1  }
0xbd: {  	_ =	sfence.sel $0xFFFF  }
0xbe: {  	[dreg:$0x0] =	wrdreg $0xFFFFFFFF;
	(pc) =	sbr.abs _section_cstart, $3  }
0xbf: {  	[dreg:$0x1] =	wrdreg $0xFFFFFFFF  }
0xc0: {  	_ =	task.clear_ibuf [dreg:s6], $0x2FFFF;
	_ =	strace $0x9FFFFFFF  }
0xc1: {  	(tm) =	ssettm $0x7FFFFFFF  }
tec
execute0_lowered:
.L_overlay_start_1:
0x0: {  	(tag) =	ssettag $0x1  }
0x1: {  	s8 =	rddreg [dreg:$0x0];
	s1 =	stileid.u32  }
0x2: {  	s2 =	srdreg.scid;
	s0 =	rddreg [dreg:$0x1]  }
0x3: {  	_ =	strace $0x8000004D;
	s5 =	simm.s32 $0x1;
	s9 =	simm.s32 $0x1  }
0x4: {  	s10 =	simm.s32 $0x3;
	s2 =	sand.u32 $0x1, s2;
	s3 =	sshll.u32 s1, $0x1  }
0x5: {  	s13 =	simm.s32 $0x0;
	s12 =	simm.s32 $0x0;
	s6 =	sor.u32 s3, s2  }
0x6: {  	[sflag:s5] =	ssyncpa.u1 $0x0;
	s2 =	sadd.s32 $0xAE00, s8;
	s4 =	smul.u32 $0x4B0, s6  }
0x7: {  	s3 =	sadd.s32 $0x19E00, s8;
	p0 =	slt.u32 s6, $0x9;
	s6 =	simm.s32 $0x9600  }
.Ltmp0:
0x8: {  	s6 =	simm.s32 @!p0 $0x0;
	s7 =	ssub.s32 $0xBB80, s4;
	(pc) =	sbr.rel .LBB2_1-.Ltmp0, $4  }
0x9: {  	s9 =	simm.s32 @!p0 $0x0;
	p0 =	sne.s32 s7, s6;
	s7 =	simm.s32 $0x1  }
0xa: {  	s8 =	sadd.s32 $0x1B600, s8;
	s6 =	simm.s32 $0x2;
	s7 =	simm.s32 @!p0 $0x0  }
0xb: {  	s11 =	smov.u32 s4;
	[sflag:s6] =	ssyncpa.u1 $0x0;
	s7 =	sadd.s32 s9, s7  }
0xc: {  	vm0 =	vmmov $0xffff;
	[sflag:s10] =	ssyncpa.u1 $0x0;
	s10 =	simm.s32 $0x0;
	s9 =	sadd.s32 $0x1, s7  }
.LBB2_4:
0xd: {  	vm1 =	veq.s32 v4, $0x80000000;
	v56 =	vand.u32 $0x7, v4;
	v6 =	vand.u32 $0x7FFF, v6  }
0xe: {  	v2 =	vor.u32 v2, v5;
	v59 =	vshrl.u32 v1, $0x3;
	v60 =	vand.u32 $0x7, v1  }
0xf: {  	v4 =	vsel vm1, $0xFFFFFFFF, v56;
	v6 =	vsel vm1, $0xFFFFFFFF, v6;
	v2 =	vor.u32 v3, v2  }
0x10: {  	vm1 =	veq.s32 v1, $0x80000000;
	v5 =	vand.u32 $0x7FFF, v59;
	v7 =	vshrl.u32 v4, $0x3  }
0x11: {  	v57 =	vshll.u32 v6, $0x3;
	v4 =	vshll.u32 v4, $0x7;
	v1 =	vsel vm1, $0xFFFFFFFF, v60  }
0x12: {  	v5 =	vsel vm1, $0xFFFFFFFF, v5;
	v6 =	vand.u32 $0x7F, v6;
	v7 =	vmul.u32 $0x28000, v7  }
0x13: {  	v58 =	vand.u32 $0xFFFFFC00, v57;
	v4 =	vand.u32 $0x380, v4;
	v61 =	vshrl.u32 v1, $0x3  }
0x14: {  	v62 =	vshll.u32 v5, $0x3;
	v3 =	vadd.s32 v7, v58;
	v7 =	vmul.u32 $0x28000, v61  }
0x15: {  	v1 =	vshll.u32 v1, $0x7;
	v3 =	vor.u32 v4, v3;
	v4 =	vand.u32 $0xFFFFFC00, v62  }
0x16: {  	v1 =	vand.u32 $0x380, v1;
	v3 =	vor.u32 v6, v3;
	v4 =	vadd.s32 v7, v4  }
0x17: {  	[tilespmem:s16], [sflag:$0x1] =	stream.indirect_vreg.gather [hbm4b:s2+s10], $0x1, v0, vm0, $0x4038;
	v63 =	vand.u32 $0x7F, v5;
	v1 =	vor.u32 v1, v4;
	[tilespmem:$0x12C0] =	vst v63  }
0x18: {  	s15 =	sadd.s32 $0x10, s15;
	(ifvalue) =	ssetifvalue $0x7FFFFFFF;
	v0 =	vor.u32 v63, v1  }
0x19: {  	[tilespmem:s15], [sflag:$0x1] =	stream.indirect_vreg.gather [hbm4b:s2+s10], $0x1, v2, vm0, $0x4038;
	[tilespmem:$0x12C0] =	vst v63  }
0x1a: {  	s15 =	sadd.s32 $0x10, s15;
	(ifvalue) =	ssetifvalue $0x7FFFFFFF  }
0x1b: {  	[tilespmem:s15], [sflag:$0x1] =	stream.indirect_vreg.gather [hbm4b:s2+s10], $0x1, v3, vm0, $0x4038;
	[tilespmem:$0x12C0] =	vst v63  }
0x1c: {  	s15 =	sadd.s32 $0x10, s15;
	(ifvalue) =	ssetifvalue $0x7FFFFFFF  }
0x1d: {  	[tilespmem:s15], [sflag:$0x1] =	stream.indirect_vreg.gather [hbm4b:s2+s10], $0x1, v0, vm0, $0x4038;
	[tilespmem:$0x12C0] =	vst v63  }
0x1e: {  	_ =	swait.ge [sflag:s5], $0x4B0  }
0x1f: {  	s30 =	sshrl.u32 s13, $0x3;
	[sflag:s5] =	ssyncset.done $0x0  }
0x20: {  	s31 =	sand.u32 $0x7, s13;
	s15 =	sadd.s32 s8, s30;
	[sflag:s5] =	ssyncadd.s32 $0xFFFFFB50  }
0x21: {  	[hbm4b:s15+s31] =	stream.linear.scatter [tilespmem:s14], [sflag:$0x3], $0x4B0, $0x38;
	[tilespmem:$0x12C0] =	vst v63  }
.LBB2_5:
0x22: {  	s15 =	sadd.s32 $0x9600, s11  }
0x23: {  	p1 =	sgt.s32 s15, $0xBB7F  }
0x24: {  	s15 =	smov.u32 @p1 s4;
	p1 =	sne.s32 s12, s9  }
.Ltmp1:
0x25: {  	p0 =	slt.u32 s12, $0x2;
	(pc) =	sbr.rel @!p1 .LBB2_6-.Ltmp1, $4  }
0x26: {  	s14 =	simm.s32 @!p0 $0x3  }
0x27: {  	_ =	swait.ge @!p0 [sflag:s14], $0x4B0  }
0x28: {  	s16 =	sadd.s32 $0x1, s12;
	s13 =	smov.u32 s11;
	[sflag:s14] =	ssyncset.done @!p0 $0x0  }
0x29: {  	s12 =	smov.u32 s16;
	s11 =	smov.u32 s15;
	[sflag:s14] =	ssyncadd.s32 @!p0 $0xFFFFFB50  }
.LBB2_1:
0x2a: {  	p0 =	sge.u32 s12, s7  }
0x2b: {  	s14 =	sxor.u32 @!p0 $0x1, s12  }
0x2c: {  	s14 =	smul.u32 @!p0 $0x12C0, s14  }
0x2d: {  	s31 =	sadd.s32 $0xFFFFFFFF, s12;
	s15 =	sshrl.u32 @!p0 s11, $0x3  }
0x2e: {  	s16 =	sand.u32 @!p0 $0x7, s11;
	s15 =	sadd.s32 @!p0 s3, s15;
	s14 =	sshra.s32 @!p0 s14, $0x2  }
0x2f: {  	[tilespmem:s14], [sflag:$0x2] =	stream.linear.gather @!p0 [hbm4b:s15+s16], $0x4B0, $0x38;
	[tilespmem:$0x12C0] =	vst v63  }
0x30: {  	p0 =	sge.u32 s31, s7  }
.Ltmp2:
0x31: {  	_ = 	snop;
	(pc) =	sbr.rel @p0 .LBB2_5-.Ltmp2, $1  }
0x32: {  	_ =	sdelay $0x3  }
0x33: {  	s14 =	sand.u32 $0x1, s12  }
0x34: {  	_ =	swait.ge [sflag:s6], $0x4B0;
	p0 =	seq.s32 s14, $0x1;
	s14 =	simm.s32 $0x4B0  }
0x35: {  	[sflag:s6] =	ssyncset.done $0x0;
	s14 =	simm.s32 @!p0 $0x0  }
0x36: {  	[sflag:s6] =	ssyncadd.s32 $0xFFFFFB50;
	(ifvalue) =	ssetifvalue $0x7FFFFFFF;
	v0 =	vld.msk [tilespmem:s14+$0x0 ss:$0x1], $0xffff  }
0x37: {  	s15 =	sadd.s32 $0x10, s14  }
0x38: {  	v1 =	vld.msk [tilespmem:s15+$0x0 ss:$0x1], $0xffff;
	_ =	sdelay $0x2  }
0x39: {  	v2 =	vshrl.u32 v0, $0x3  }
0x3a: {  	vm1 =	veq.s32 v0, $0x80000000;
	v0 =	vand.u32 $0x7, v0;
	v2 =	vand.u32 $0x7FFF, v2  }
0x3b: {  	v0 =	vsel vm1, $0xFFFFFFFF, v0;
	v6 =	vshrl.u32 v1, $0x3;
	v2 =	vsel vm1, $0xFFFFFFFF, v2  }
0x3c: {  	v3 =	vshrl.u32 v0, $0x3;
	v0 =	vshll.u32 v0, $0x7;
	vm1 =	veq.s32 v1, $0x80000000  }
0x3d: {  	s15 =	sadd.s32 $0x10, s15;
	v1 =	vand.u32 $0x7, v1;
	v4 =	vshll.u32 v2, $0x3;
	v3 =	vmul.u32 $0x28000, v3  }
0x3e: {  	v0 =	vand.u32 $0x380, v0;
	v7 =	vand.u32 $0x7F, v2;
	v5 =	vand.u32 $0xFFFFFC00, v4;
	v4 =	vld.msk [tilespmem:s15+$0x0 ss:$0x1], $0xffff  }
0x3f: {  	v1 =	vsel vm1, $0xFFFFFFFF, v1;
	v2 =	vadd.s32 v3, v5;
	v3 =	vand.u32 $0x7FFF, v6  }
0x40: {  	v3 =	vsel vm1, $0xFFFFFFFF, v3;
	v0 =	vor.u32 v0, v2;
	v2 =	vshrl.u32 v1, $0x3  }
0x41: {  	v1 =	vshll.u32 v1, $0x7;
	v5 =	vshll.u32 v3, $0x3;
	v8 =	vmul.u32 $0x28000, v2  }
0x42: {  	s18 =	simm.s32 $0x30;
	s14 =	sadd.s32 $0x960, s14;
	s17 =	sadd.s32 $0x10, s15;
	v2 =	vand.u32 $0x380, v1;
	v0 =	vor.u32 v7, v0;
	v5 =	vand.u32 $0xFFFFFC00, v5  }
0x43: {  	s16 =	smov.u32 s14;
	s15 =	smov.u32 s14;
	v1 =	vld.msk [tilespmem:s17+$0x0 ss:$0x1], $0xffff;
	v3 =	vand.u32 $0x7F, v3;
	(ifvalue) =	ssetifvalue $0x7FFFFFFF;
	v6 =	vshrl.u32 v4, $0x3;
	v5 =	vadd.s32 v8, v5  }
.LBB2_3:
0x44: {  	s18 =	sadd.s32 $0x10, s18  }
0x45: {  	vm1 =	veq.s32 v4, $0x80000000;
	v4 =	vand.u32 $0x7, v4;
	v6 =	vand.u32 $0x7FFF, v6;
	s15 =	sadd.s32 $0x10, s15;
	p0 =	slt.u32 s18, $0x4A0  }
.Ltmp3:
0x46: {  	v5 =	vor.u32 v2, v5;
	v4 =	vsel vm1, $0xFFFFFFFF, v4;
	v7 =	vsel vm1, $0xFFFFFFFF, v6;
	(pc) =	sbr.rel @p0 .LBB2_3-.Ltmp3, $4  }
0x47: {  	v2 =	vshrl.u32 v4, $0x3;
	v6 =	vshll.u32 v7, $0x3;
	v4 =	vshll.u32 v4, $0x7;
	[tilespmem:s16], [sflag:$0x1] =	stream.indirect_vreg.gather [hbm4b:s2+s10], $0x1, v0, vm0, $0x4038;
	[tilespmem:$0x12C0] =	vst v63  }
0x48: {  	v0 =	vor.u32 v3, v5;
	s16 =	smov.u32 s15;
	v8 =	vmul.u32 $0x28000, v2;
	v2 =	vand.u32 $0x380, v4  }
0x49: {  	s17 =	sadd.s32 $0x10, s17;
	v9 =	vand.u32 $0xFFFFFC00, v6  }
0x4a: {  	v3 =	vand.u32 $0x7F, v7;
	v6 =	vshrl.u32 v1, $0x3;
	v5 =	vadd.s32 v8, v9;
	(ifvalue) =	ssetifvalue $0x7FFFFFFF;
	v4 =	vmovc v1;
	v1 =	vld.msk [tilespmem:s17+$0x0 ss:$0x1], $0xffff  }
.Ltmp4:
0x4b: {  	_ = 	snop;
	(pc) =	sbr.rel .LBB2_4-.Ltmp4, $1  }
0x4c: {  	_ =	sdelay $0x3  }
.LBB2_6:
0x4d: {  	_ =	sfence.sel $0x180000  }
0x4e: {  	s2 =	simm.s32 $0x2;
	[bflag:$0x0] =	sbarrier.arrive $0xFFFF  }
0x4f: {  	s30 =	simm.s32 $0x3;
	[sflag:s2] =	ssyncpa.u1 $0x1  }
0x50: {  	s31 =	simm.s32 $0x1;
	[sflag:s30] =	ssyncpa.u1 $0x1  }
0x51: {  	[sflag:s31] =	ssyncpa.u1 $0x1  }
0x52: {  	p0 =	sne.s32 s1, $0x0;
	_ =	strace $0x9000004D  }
0x53: {  	s0 =	sadd.s32 @!p0 $0x100000, s0;
	[bflag:$0x2] =	sbarrier.arrive $0xFFFF  }
0x54: {  	[sflag:s0] =	ssyncadd.tile.s32 @!p0 $0x1;
	_ =	shalt  }
.Lfunc_end2:
_tile_overlayer_lowered:
.L_overlay_start_2:
0x55: {  	(tag) =	ssettag $0x2  }
0x56: {  	s0 =	rddreg [dreg:$0x0];
	s2 =	stileid.u32  }
0x57: {  	s1 =	rddreg [dreg:$0x1];
	p0 =	sne.s32 s2, $0x0  }
0x58: {  	s3 =	rddreg [dreg:$0x2];
	[bflag:$0x3] =	sbarrier.arrive $0xFFFF;
	s2 =	simm.s32 @!p0 $0x1C01  }
0x59: {  	[timem:s3], [sflag:s2] =	dma.local @!p0 [hbm:s0], s1  }
0x5a: {  	s0 =	simm.s32 @!p0 $0x1  }
0x5b: {  	_ =	swait.ge @!p0 [sflag:s0], s1  }
0x5c: {  	s1 =	ssub.s32 @!p0 $0x0, s1;
	[sflag:s0] =	ssyncset.done @!p0 $0x0  }
0x5d: {  	[sflag:s0] =	ssyncadd.s32 @!p0 s1  }
0x5e: {  	[bflag:$0x3] =	sbarrier.arrive $0xFFFF  }
0x5f: {  	_ =	shalt  }

// kernel: gather_offload_async_start.2
scs
__scs_entry_jumppad:
0x0: {  	(pc) =	sbr.rel $0x88, $3  }
0x1: {  	(tag) =	ssettag $0x0;
	lr =	simm.s32 $0x1  }
0x2: {  	[smem:$0x3F9D] =	sst lr;
	_ =	strace $0xD0000000  }
0x3: {  	_ = 	snop  }
0x4: {  	_ = 	snop  }
0x5: {  	_ = 	snop  }
0x6: {  	_ = 	snop  }
0x7: {  	_ = 	snop  }
__scs_overlays_trampoline_lowered:
0x8: {  	[smem:$0x3FAC] =	sst s0  }
0x9: {  	[smem:$0x3FAD] =	sst s1  }
0xa: {  	[smem:$0x3FAE] =	sst s2  }
0xb: {  	[smem:$0x3FAF] =	sst s3  }
0xc: {  	[smem:$0x3FB0] =	sst s4  }
0xd: {  	[smem:$0x3FB1] =	sst s5  }
0xe: {  	[smem:$0x3FB2] =	sst s6  }
0xf: {  	[smem:$0x3FB3] =	sst s7  }
0x10: {  	[smem:$0x3FB4] =	sst s8  }
0x11: {  	[smem:$0x3FB5] =	sst s9;
	s0 =	simm.s32 @!p0 $0x0  }
0x12: {  	s1 =	sld [smem:$0x3F9B];
	s0 =	simm.s32 @p0 $0x1  }
0x13: {  	[smem:$0x3FB6] =	sst s0;
	s0 =	simm.s32 @!p1 $0x0  }
0x14: {  	s2 =	sld [smem:$0x3F9A];
	s0 =	simm.s32 @p1 $0x1  }
0x15: {  	[smem:$0x3FB7] =	sst s0;
	s0 =	simm.s32 @!p2 $0x0  }
0x16: {  	s3 =	sld [smem:$0x3FDB];
	s0 =	simm.s32 @p2 $0x1  }
0x17: {  	s4 =	simm.s32 $0x1BF5;
	[smem:$0x3FB9] =	sst s0  }
0x18: {  	s0 =	sld [smem:$0x3F9C];
	_ =	swait.ge [sflag:s4], $0x0  }
0x19: {  	s7 =	sld [smem:$0x3F9D]  }
0x1a: {  	s8 =	sadd.s32 $0xFFFFE003, lr  }
0x1b: {  	s9 =	sadd.s32 $0xFFFFFEF7, lr;
	s5 =	simm.s32 $0xFFFFFFFF;
	p2 =	slt.u32 s8, $0xFFFFF086  }
0x1c: {  	p1 =	slt.u32 s9, $0xF7A;
	s5 =	simm.s32 @!p2 $0x0  }
0x1d: {  	s5 =	simm.s32 @p1 $0x1;
	p0 =	seq.s32 s7, s2  }
0x1e: {  	s7 =	smul.u32 @!p0 $0xF7A, s2;
	p2 =	seq.s32 @!p0 s5, $0x0  }
0x1f: {  	s9 =	smul.u32 $0xF7A, s1;
	s8 =	simm.s32 @!p0 $0x1BF5;
	p2 =	por !p2, p0  }
0x20: {  	[sflag:s8] =	ssyncset.s32 @!p0 $0xFFFFF086;
	s6 =	sadd.s32 @!p0 s3, s7;
	s7 =	simm.s32 @!p0 $0x108  }
0x21: {  	s3 =	sadd.s32 s3, s9;
	s6 =	sadd.s32 @!p0 $0x88, s6;
	s7 =	simm.s32 @p2 $0x1082  }
0x22: {  	[simem:s7], [sflag:s8] =	dma.local @!p0 [hbm:s6], $0xF7A  }
0x23: {  	s9 =	sor.u32 $0xD0000000, s2;
	s6 =	simm.s32 $0x108;
	_ =	swait.ge @!p0 [sflag:s8], $0x0  }
0x24: {  	s3 =	sadd.s32 $0x88, s3;
	s6 =	simm.s32 @!p1 $0x1082;
	[sflag:s4] =	ssyncset.s32 $0xFFFFF086  }
0x25: {  	[simem:s6], [sflag:s4] =	dma.local [hbm:s3], $0xF7A  }
0x26: {  	[smem:$0x3F9D] =	sst s1;
	(tag) =	ssettag s2;
	_ =	strace s9  }
0x27: {  	s1 =	sld [smem:$0x3FAD]  }
0x28: {  	s2 =	sld [smem:$0x3FAE]  }
0x29: {  	s4 =	sld [smem:$0x3FB0]  }
0x2a: {  	p0 =	seq.s32 s5, $0x0;
	s5 =	sld [smem:$0x3FB1]  }
0x2b: {  	s6 =	sld [smem:$0x3FB2]  }
0x2c: {  	s7 =	sld [smem:$0x3FB3]  }
0x2d: {  	s3 =	simm.s32 $0x108;
	s8 =	sld [smem:$0x3FB4]  }
0x2e: {  	s3 =	simm.s32 @!p0 $0x1082;
	s9 =	sld [smem:$0x3FB5]  }
0x2f: {  	lr =	sadd.s32 s0, s3;
	s0 =	sld [smem:$0x3FAC]  }
0x30: {  	s3 =	sld [smem:$0x3FAF]  }
0x31: {  	[smem:$0x3FB8] =	sst s10  }
0x32: {  	s10 =	sld [smem:$0x3FB6];
	_ =	sdelay $0x3  }
0x33: {  	p0 =	seq.s32 s10, $0x1;
	s10 =	sld [smem:$0x3FB8];
	_ =	sdelay $0x3  }
0x34: {  	[smem:$0x3FB8] =	sst s10  }
0x35: {  	s10 =	sld [smem:$0x3FB7];
	_ =	sdelay $0x3  }
0x36: {  	p1 =	seq.s32 s10, $0x1;
	s10 =	sld [smem:$0x3FB8];
	_ =	sdelay $0x3  }
0x37: {  	[smem:$0x3FB8] =	sst s10  }
0x38: {  	s10 =	sld [smem:$0x3FB9]  }
0x39: {  	_ = 	snop;
	(pc) =	sbr.ind lr, $3  }
0x3a: {  	_ = 	snop  }
0x3b: {  	_ = 	snop  }
0x3c: {  	p2 =	seq.s32 s10, $0x1;
	s10 =	sld [smem:$0x3FB8]  }
0x3d: {  	_ =	shalt  }
0x3e: {  	_ =	shalt  }
0x3f: {  	_ =	shalt  }
0x40: {  	_ =	shalt  }
0x41: {  	_ =	shalt  }
0x42: {  	_ =	shalt  }
0x43: {  	_ =	shalt  }
0x44: {  	_ =	shalt  }
0x45: {  	_ =	shalt  }
0x46: {  	_ =	shalt  }
0x47: {  	_ =	shalt  }
0x48: {  	_ =	shalt  }
0x49: {  	_ =	shalt  }
0x4a: {  	_ =	shalt  }
0x4b: {  	_ =	shalt  }
0x4c: {  	_ =	shalt  }
0x4d: {  	_ =	shalt  }
0x4e: {  	_ =	shalt  }
0x4f: {  	_ =	shalt  }
0x50: {  	_ =	shalt  }
0x51: {  	_ =	shalt  }
0x52: {  	_ =	shalt  }
0x53: {  	_ =	shalt  }
0x54: {  	_ =	shalt  }
0x55: {  	_ =	shalt  }
0x56: {  	_ =	shalt  }
0x57: {  	_ =	shalt  }
0x58: {  	_ =	shalt  }
0x59: {  	_ =	shalt  }
0x5a: {  	_ =	shalt  }
0x5b: {  	_ =	shalt  }
0x5c: {  	_ =	shalt  }
0x5d: {  	_ =	shalt  }
0x5e: {  	_ =	shalt  }
0x5f: {  	_ =	shalt  }
0x60: {  	_ =	shalt  }
0x61: {  	_ =	shalt  }
0x62: {  	_ =	shalt  }
0x63: {  	_ =	shalt  }
0x64: {  	_ =	shalt  }
0x65: {  	_ =	shalt  }
0x66: {  	_ =	shalt  }
0x67: {  	_ =	shalt  }
0x68: {  	_ =	shalt  }
0x69: {  	_ =	shalt  }
0x6a: {  	_ =	shalt  }
0x6b: {  	_ =	shalt  }
0x6c: {  	_ =	shalt  }
0x6d: {  	_ =	shalt  }
0x6e: {  	_ =	shalt  }
0x6f: {  	_ =	shalt  }
0x70: {  	_ =	shalt  }
0x71: {  	_ =	shalt  }
0x72: {  	_ =	shalt  }
0x73: {  	_ =	shalt  }
0x74: {  	_ =	shalt  }
0x75: {  	_ =	shalt  }
0x76: {  	_ =	shalt  }
0x77: {  	_ =	shalt  }
0x78: {  	_ =	shalt  }
0x79: {  	_ =	shalt  }
0x7a: {  	_ =	shalt  }
0x7b: {  	_ =	shalt  }
0x7c: {  	_ =	shalt  }
0x7d: {  	_ =	shalt  }
0x7e: {  	_ =	shalt  }
0x7f: {  	_ =	shalt  }
0x80: {  	_ =	shalt  }
0x81: {  	_ =	shalt  }
0x82: {  	_ =	shalt  }
0x83: {  	_ =	shalt  }
0x84: {  	_ =	shalt  }
0x85: {  	_ =	shalt  }
0x86: {  	_ =	shalt  }
0x87: {  	_ =	shalt  }
.Lfunc_end0:
.L_simem_size_0:
called_computation.2_lowered:
.L_overlay_start_0:
0x88: {  	s2 =	sld [smem:$0x3FD9]  }
0x89: {  	s3 =	sld [smem:$0x3FFE];
	_ =	sdelay $0x1  }
0x8a: {  	s1 =	srdreg.scid  }
0x8b: {  	s0 =	sand.u32 $0x1, s1  }
0x8c: {  	s17 =	sshll.u32 s0, $0xA;
	s2 =	sadd.s32 s3, s2  }
0x8d: {  	s2 =	sadd.s32 s2, s17  }
0x8e: {  	[smem:$0x3FC4] =	sst s2  }
0x8f: {  	_ = 	snop  }
0x90: {  	(tm) =	ssettm $0x1  }
0x91: {  	s18 =	sld [smem:$0x3FFB];
	_ =	sdelay $0x3  }
0x92: {  	_ =	strace s18  }
0x93: {  	s2 =	sld [smem:$0x3FFC];
	_ =	sdelay $0x3  }
0x94: {  	_ =	strace s2  }
0x95: {  	s2 =	sld [smem:$0x3FFD];
	_ =	sdelay $0x3  }
0x96: {  	_ =	strace s2  }
0x97: {  	_ =	strace $0x8FFFFFFF  }
0x98: {  	s19 =	sld [smem:$0x3FDB];
	_ =	sdelay $0x1  }
0x99: {  	s20 =	simm.s32 $_scs_section_size  }
0x9a: {  	s4 =	simm.s32 $_size__tile_overlayer_lowered;
	s5 =	simm.s32 $_tile_overlayer_lowered  }
0x9b: {  	s6 =	simm.s32 $0x1BFF;
	s21 =	sshll.u32 s5, $0x1;
	s3 =	sadd.s32 s20, s19  }
0x9c: {  	s22 =	simm.s32 $0x0;
	s4 =	sshll.u32 s4, $0x1;
	s5 =	sadd.s32 s21, s3  }
0x9d: {  	[timem:s22], [sflag:s6] =	dma.local [hbm:s5], s4  }
0x9e: {  	_ =	swait.ge [sflag:s6], s4  }
0x9f: {  	s4 =	ssub.s32 $0x0, s4;
	[sflag:s6] =	ssyncset.done $0x0  }
0xa0: {  	[sflag:s6] =	ssyncadd.s32 s4;
	_ =	sdelay $0x1  }
0xa1: {  	s23 =	simm.s32 $0x1B8B  }
0xa2: {  	_ =	swait.ge [sflag:s23], $0x1  }
0xa3: {  	[sflag:s23] =	ssyncset.done $0x0  }
0xa4: {  	[sflag:s23] =	ssyncadd.s32 $0xFFFFFFFF  }
0xa5: {  	s4 =	sld [smem:$0x0]  }
0xa6: {  	s5 =	sand.u32 $0xFFFFFFFE, s1  }
0xa7: {  	p0 =	sne.s32 s1, s5  }
0xa8: {  	s5 =	sshll.u32 @p0 s5, $0xE  }
0xa9: {  	s5 =	sadd.s32 @p0 $0x11B8D, s5;
	s6 =	sshll.u32 @p0 s4, $0x11  }
0xaa: {  	s5 =	sor.u32 @p0 s6, s5  }
0xab: {  	[sflag:s5] =	ssyncadd.remote.s32 @p0 $0x1;
	_ =	sdelay $0x1  }
0xac: {  	s5 =	simm.s32 @p0 $0x1B8D  }
0xad: {  	_ =	swait.eq @p0 [sflag:s5], $0x1  }
0xae: {  	[sflag:s5] =	ssyncadd.s32 @p0 $0xFFFFFFFF  }
0xaf: {  	s6 =	sshll.u32 @!p0 s1, $0xE  }
0xb0: {  	s6 =	sor.u32 @!p0 $0x4000, s6;
	s5 =	simm.s32 @!p0 $0x1B8D  }
0xb1: {  	s4 =	sshll.u32 @!p0 s4, $0x11;
	s6 =	sadd.s32 @!p0 $0x11B8D, s6;
	_ =	swait.eq @!p0 [sflag:s5], $0x1  }
0xb2: {  	s4 =	sor.u32 @!p0 s4, s6;
	[sflag:s5] =	ssyncadd.s32 @!p0 $0xFFFFFFFF  }
0xb3: {  	s25 =	simm.s32 $0x1B8E;
	s24 =	sld [smem:$0x3FFE];
	[sflag:s4] =	ssyncadd.remote.s32 @!p0 $0x1  }
0xb4: {  	s26 =	simm.s32 $execute0_lowered;
	[smem:$0x3FD2] =	sst s25  }
0xb5: {  	s5 =	sshll.u32 s26, $0x1;
	_ =	strace $0x8000004F;
	[dreg:$0x1] =	wrdreg $0xFFFFFFFF  }
0xb6: {  	s28 =	simm.s32 $_size_execute0_lowered;
	s3 =	sadd.s32 s3, s5;
	[dreg:$0x0] =	wrdreg $0x0  }
0xb7: {  	s5 =	sshll.u32 s28, $0x1;
	[dreg:$0x2] =	wrdreg s3  }
0xb8: {  	[dreg:$0x3] =	wrdreg s5  }
0xb9: {  	[dreg:$0x4] =	wrdreg $0xC0  }
0xba: {  	_ =	task [dreg:s22], $0x5FFFF  }
0xbb: {  	[dreg:$0x1] =	wrdreg $0xFFFFFFFF  }
0xbc: {  	[dreg:$0x0] =	wrdreg $0x60  }
0xbd: {  	[dreg:$0x2] =	wrdreg s24  }
0xbe: {  	[dreg:$0x3] =	wrdreg $0xA  }
0xbf: {  	_ =	task.clear_ibuf [dreg:s22], $0x4FFFF;
	_ =	strace $0x9000004F  }
0xc0: {  	s29 =	simm.s32 $0xA;
	_ =	strace $0x80000051  }
0xc1: {  	_ =	swait.ge [sflag:s29], $0x1  }
0xc2: {  	[sflag:s29] =	ssyncadd.s32 $0xFFFFFFFF  }
0xc3: {  	_ =	strace $0x90000051  }
0xc4: {  	_ =	sfence  }
0xc5: {  	s30 =	sld [smem:$0x0];
	_ =	sdelay $0x2  }
0xc6: {  	s31 =	sshll.u32 s1, $0xD;
	s1 =	sshrl.u32 s1, $0x2  }
0xc7: {  	s4 =	sand.u32 $0x4000, s31;
	s1 =	sadd.s32 s1, s30  }
0xc8: {  	s0 =	sor.u32 s4, s0;
	s1 =	sshll.u32 s1, $0x11  }
0xc9: {  	s0 =	sor.u32 s1, s0  }
0xca: {  	s0 =	sadd.s32 $0x8F2B, s0  }
0xcb: {  	[sflag:s0] =	ssyncadd.remote.s32 $0x1  }
0xcc: {  	_ =	sfence.sel $0xFFFF  }
0xcd: {  	[dreg:$0x0] =	wrdreg $0xFFFFFFFF;
	(pc) =	sbr.abs _section_cstart, $3  }
0xce: {  	[dreg:$0x1] =	wrdreg $0xFFFFFFFF  }
0xcf: {  	_ =	task.clear_ibuf [dreg:s22], $0x2FFFF;
	_ =	strace $0x9FFFFFFF  }
0xd0: {  	(tm) =	ssettm $0x7FFFFFFF  }
0xd1: {  	_ =	shalt  }
tec
execute0_lowered:
.L_overlay_start_1:
0x0: {  	(tag) =	ssettag $0x1  }
0x1: {  	s8 =	rddreg [dreg:$0x0];
	s1 =	stileid.u32  }
0x2: {  	s2 =	srdreg.scid;
	s0 =	rddreg [dreg:$0x1]  }
0x3: {  	_ =	strace $0x80000050;
	s5 =	simm.s32 $0x1;
	s9 =	simm.s32 $0x1  }
0x4: {  	s10 =	simm.s32 $0x3;
	s2 =	sand.u32 $0x1, s2;
	s3 =	sshll.u32 s1, $0x1  }
0x5: {  	s13 =	simm.s32 $0x0;
	s12 =	simm.s32 $0x0;
	s6 =	sor.u32 s3, s2  }
0x6: {  	[sflag:s5] =	ssyncpa.u1 $0x0;
	s2 =	sadd.s32 $0x5E00, s8;
	s4 =	smul.u32 $0x4B0, s6  }
0x7: {  	s3 =	sadd.s32 $0x19E00, s8;
	p0 =	slt.u32 s6, $0x9;
	s6 =	simm.s32 $0x9600  }
.Ltmp0:
0x8: {  	s6 =	simm.s32 @!p0 $0x0;
	s7 =	ssub.s32 $0xBB80, s4;
	(pc) =	sbr.rel .LBB2_1-.Ltmp0, $4  }
0x9: {  	s9 =	simm.s32 @!p0 $0x0;
	p0 =	sne.s32 s7, s6;
	s7 =	simm.s32 $0x1  }
0xa: {  	s8 =	sadd.s32 $0x3E00, s8;
	s6 =	simm.s32 $0x2;
	s7 =	simm.s32 @!p0 $0x0  }
0xb: {  	s11 =	smov.u32 s4;
	[sflag:s6] =	ssyncpa.u1 $0x0;
	s7 =	sadd.s32 s9, s7  }
0xc: {  	vm0 =	vmmov $0xffff;
	[sflag:s10] =	ssyncpa.u1 $0x0;
	s10 =	simm.s32 $0x0;
	s9 =	sadd.s32 $0x1, s7  }
.LBB2_4:
0xd: {  	vm1 =	veq.s32 v4, $0x80000000;
	v56 =	vand.u32 $0x7, v4;
	v6 =	vand.u32 $0x7FFF, v6  }
0xe: {  	v2 =	vor.u32 v2, v5;
	v59 =	vshrl.u32 v1, $0x3;
	v60 =	vand.u32 $0x7, v1  }
0xf: {  	v4 =	vsel vm1, $0xFFFFFFFF, v56;
	v6 =	vsel vm1, $0xFFFFFFFF, v6;
	v2 =	vor.u32 v3, v2  }
0x10: {  	vm1 =	veq.s32 v1, $0x80000000;
	v5 =	vand.u32 $0x7FFF, v59;
	v7 =	vshrl.u32 v4, $0x3  }
0x11: {  	v57 =	vshll.u32 v6, $0x3;
	v4 =	vshll.u32 v4, $0x7;
	v1 =	vsel vm1, $0xFFFFFFFF, v60  }
0x12: {  	v5 =	vsel vm1, $0xFFFFFFFF, v5;
	v6 =	vand.u32 $0x7F, v6;
	v7 =	vmul.u32 $0x28000, v7  }
0x13: {  	v58 =	vand.u32 $0xFFFFFC00, v57;
	v4 =	vand.u32 $0x380, v4;
	v61 =	vshrl.u32 v1, $0x3  }
0x14: {  	v62 =	vshll.u32 v5, $0x3;
	v3 =	vadd.s32 v7, v58;
	v7 =	vmul.u32 $0x28000, v61  }
0x15: {  	v1 =	vshll.u32 v1, $0x7;
	v3 =	vor.u32 v4, v3;
	v4 =	vand.u32 $0xFFFFFC00, v62  }
0x16: {  	v1 =	vand.u32 $0x380, v1;
	v3 =	vor.u32 v6, v3;
	v4 =	vadd.s32 v7, v4  }
0x17: {  	[tilespmem:s16], [sflag:$0x1] =	stream.indirect_vreg.gather [hbm4b:s2+s10], $0x1, v0, vm0, $0x4038;
	v63 =	vand.u32 $0x7F, v5;
	v1 =	vor.u32 v1, v4;
	[tilespmem:$0x12C0] =	vst v63  }
0x18: {  	s15 =	sadd.s32 $0x10, s15;
	(ifvalue) =	ssetifvalue $0x7FFFFFFF;
	v0 =	vor.u32 v63, v1  }
0x19: {  	[tilespmem:s15], [sflag:$0x1] =	stream.indirect_vreg.gather [hbm4b:s2+s10], $0x1, v2, vm0, $0x4038;
	[tilespmem:$0x12C0] =	vst v63  }
0x1a: {  	s15 =	sadd.s32 $0x10, s15;
	(ifvalue) =	ssetifvalue $0x7FFFFFFF  }
0x1b: {  	[tilespmem:s15], [sflag:$0x1] =	stream.indirect_vreg.gather [hbm4b:s2+s10], $0x1, v3, vm0, $0x4038;
	[tilespmem:$0x12C0] =	vst v63  }
0x1c: {  	s15 =	sadd.s32 $0x10, s15;
	(ifvalue) =	ssetifvalue $0x7FFFFFFF  }
0x1d: {  	[tilespmem:s15], [sflag:$0x1] =	stream.indirect_vreg.gather [hbm4b:s2+s10], $0x1, v0, vm0, $0x4038;
	[tilespmem:$0x12C0] =	vst v63  }
0x1e: {  	_ =	swait.ge [sflag:s5], $0x4B0  }
0x1f: {  	s30 =	sshrl.u32 s13, $0x3;
	[sflag:s5] =	ssyncset.done $0x0  }
0x20: {  	s31 =	sand.u32 $0x7, s13;
	s15 =	sadd.s32 s8, s30;
	[sflag:s5] =	ssyncadd.s32 $0xFFFFFB50  }
0x21: {  	[hbm4b:s15+s31] =	stream.linear.scatter [tilespmem:s14], [sflag:$0x3], $0x4B0, $0x38;
	[tilespmem:$0x12C0] =	vst v63  }
.LBB2_5:
0x22: {  	s15 =	sadd.s32 $0x9600, s11  }
0x23: {  	p1 =	sgt.s32 s15, $0xBB7F  }
0x24: {  	s15 =	smov.u32 @p1 s4;
	p1 =	sne.s32 s12, s9  }
.Ltmp1:
0x25: {  	p0 =	slt.u32 s12, $0x2;
	(pc) =	sbr.rel @!p1 .LBB2_6-.Ltmp1, $4  }
0x26: {  	s14 =	simm.s32 @!p0 $0x3  }
0x27: {  	_ =	swait.ge @!p0 [sflag:s14], $0x4B0  }
0x28: {  	s16 =	sadd.s32 $0x1, s12;
	s13 =	smov.u32 s11;
	[sflag:s14] =	ssyncset.done @!p0 $0x0  }
0x29: {  	s12 =	smov.u32 s16;
	s11 =	smov.u32 s15;
	[sflag:s14] =	ssyncadd.s32 @!p0 $0xFFFFFB50  }
.LBB2_1:
0x2a: {  	p0 =	sge.u32 s12, s7  }
0x2b: {  	s14 =	sxor.u32 @!p0 $0x1, s12  }
0x2c: {  	s14 =	smul.u32 @!p0 $0x12C0, s14  }
0x2d: {  	s31 =	sadd.s32 $0xFFFFFFFF, s12;
	s15 =	sshrl.u32 @!p0 s11, $0x3  }
0x2e: {  	s16 =	sand.u32 @!p0 $0x7, s11;
	s15 =	sadd.s32 @!p0 s3, s15;
	s14 =	sshra.s32 @!p0 s14, $0x2  }
0x2f: {  	[tilespmem:s14], [sflag:$0x2] =	stream.linear.gather @!p0 [hbm4b:s15+s16], $0x4B0, $0x38;
	[tilespmem:$0x12C0] =	vst v63  }
0x30: {  	p0 =	sge.u32 s31, s7  }
.Ltmp2:
0x31: {  	_ = 	snop;
	(pc) =	sbr.rel @p0 .LBB2_5-.Ltmp2, $1  }
0x32: {  	_ =	sdelay $0x3  }
0x33: {  	s14 =	sand.u32 $0x1, s12  }
0x34: {  	_ =	swait.ge [sflag:s6], $0x4B0;
	p0 =	seq.s32 s14, $0x1;
	s14 =	simm.s32 $0x4B0  }
0x35: {  	[sflag:s6] =	ssyncset.done $0x0;
	s14 =	simm.s32 @!p0 $0x0  }
0x36: {  	[sflag:s6] =	ssyncadd.s32 $0xFFFFFB50;
	(ifvalue) =	ssetifvalue $0x7FFFFFFF;
	v0 =	vld.msk [tilespmem:s14+$0x0 ss:$0x1], $0xffff  }
0x37: {  	s15 =	sadd.s32 $0x10, s14  }
0x38: {  	v1 =	vld.msk [tilespmem:s15+$0x0 ss:$0x1], $0xffff;
	_ =	sdelay $0x2  }
0x39: {  	v2 =	vshrl.u32 v0, $0x3  }
0x3a: {  	vm1 =	veq.s32 v0, $0x80000000;
	v0 =	vand.u32 $0x7, v0;
	v2 =	vand.u32 $0x7FFF, v2  }
0x3b: {  	v0 =	vsel vm1, $0xFFFFFFFF, v0;
	v6 =	vshrl.u32 v1, $0x3;
	v2 =	vsel vm1, $0xFFFFFFFF, v2  }
0x3c: {  	v3 =	vshrl.u32 v0, $0x3;
	v0 =	vshll.u32 v0, $0x7;
	vm1 =	veq.s32 v1, $0x80000000  }
0x3d: {  	s15 =	sadd.s32 $0x10, s15;
	v1 =	vand.u32 $0x7, v1;
	v4 =	vshll.u32 v2, $0x3;
	v3 =	vmul.u32 $0x28000, v3  }
0x3e: {  	v0 =	vand.u32 $0x380, v0;
	v7 =	vand.u32 $0x7F, v2;
	v5 =	vand.u32 $0xFFFFFC00, v4;
	v4 =	vld.msk [tilespmem:s15+$0x0 ss:$0x1], $0xffff  }
0x3f: {  	v1 =	vsel vm1, $0xFFFFFFFF, v1;
	v2 =	vadd.s32 v3, v5;
	v3 =	vand.u32 $0x7FFF, v6  }
0x40: {  	v3 =	vsel vm1, $0xFFFFFFFF, v3;
	v0 =	vor.u32 v0, v2;
	v2 =	vshrl.u32 v1, $0x3  }
0x41: {  	v1 =	vshll.u32 v1, $0x7;
	v5 =	vshll.u32 v3, $0x3;
	v8 =	vmul.u32 $0x28000, v2  }
0x42: {  	s18 =	simm.s32 $0x30;
	s14 =	sadd.s32 $0x960, s14;
	s17 =	sadd.s32 $0x10, s15;
	v2 =	vand.u32 $0x380, v1;
	v0 =	vor.u32 v7, v0;
	v5 =	vand.u32 $0xFFFFFC00, v5  }
0x43: {  	s16 =	smov.u32 s14;
	s15 =	smov.u32 s14;
	v1 =	vld.msk [tilespmem:s17+$0x0 ss:$0x1], $0xffff;
	v3 =	vand.u32 $0x7F, v3;
	(ifvalue) =	ssetifvalue $0x7FFFFFFF;
	v6 =	vshrl.u32 v4, $0x3;
	v5 =	vadd.s32 v8, v5  }
.LBB2_3:
0x44: {  	s18 =	sadd.s32 $0x10, s18  }
0x45: {  	vm1 =	veq.s32 v4, $0x80000000;
	v4 =	vand.u32 $0x7, v4;
	v6 =	vand.u32 $0x7FFF, v6;
	s15 =	sadd.s32 $0x10, s15;
	p0 =	slt.u32 s18, $0x4A0  }
.Ltmp3:
0x46: {  	v5 =	vor.u32 v2, v5;
	v4 =	vsel vm1, $0xFFFFFFFF, v4;
	v7 =	vsel vm1, $0xFFFFFFFF, v6;
	(pc) =	sbr.rel @p0 .LBB2_3-.Ltmp3, $4  }
0x47: {  	v2 =	vshrl.u32 v4, $0x3;
	v6 =	vshll.u32 v7, $0x3;
	v4 =	vshll.u32 v4, $0x7;
	[tilespmem:s16], [sflag:$0x1] =	stream.indirect_vreg.gather [hbm4b:s2+s10], $0x1, v0, vm0, $0x4038;
	[tilespmem:$0x12C0] =	vst v63  }
0x48: {  	v0 =	vor.u32 v3, v5;
	s16 =	smov.u32 s15;
	v8 =	vmul.u32 $0x28000, v2;
	v2 =	vand.u32 $0x380, v4  }
0x49: {  	s17 =	sadd.s32 $0x10, s17;
	v9 =	vand.u32 $0xFFFFFC00, v6  }
0x4a: {  	v3 =	vand.u32 $0x7F, v7;
	v6 =	vshrl.u32 v1, $0x3;
	v5 =	vadd.s32 v8, v9;
	(ifvalue) =	ssetifvalue $0x7FFFFFFF;
	v4 =	vmovc v1;
	v1 =	vld.msk [tilespmem:s17+$0x0 ss:$0x1], $0xffff  }
.Ltmp4:
0x4b: {  	_ = 	snop;
	(pc) =	sbr.rel .LBB2_4-.Ltmp4, $1  }
0x4c: {  	_ =	sdelay $0x3  }
.LBB2_6:
0x4d: {  	_ =	sfence.sel $0x180000  }
0x4e: {  	s2 =	simm.s32 $0x2;
	[bflag:$0x0] =	sbarrier.arrive $0xFFFF  }
0x4f: {  	s30 =	simm.s32 $0x3;
	[sflag:s2] =	ssyncpa.u1 $0x1  }
0x50: {  	s31 =	simm.s32 $0x1;
	[sflag:s30] =	ssyncpa.u1 $0x1  }
0x51: {  	[sflag:s31] =	ssyncpa.u1 $0x1  }
0x52: {  	p0 =	sne.s32 s1, $0x0;
	_ =	strace $0x90000050  }
0x53: {  	s0 =	sadd.s32 @!p0 $0x100000, s0;
	[bflag:$0x2] =	sbarrier.arrive $0xFFFF  }
0x54: {  	[sflag:s0] =	ssyncadd.tile.s32 @!p0 $0x1;
	_ =	shalt  }
.Lfunc_end2:
_tile_overlayer_lowered:
.L_overlay_start_2:
0x55: {  	(tag) =	ssettag $0x2  }
0x56: {  	s0 =	rddreg [dreg:$0x0];
	s2 =	stileid.u32  }
0x57: {  	s1 =	rddreg [dreg:$0x1];
	p0 =	sne.s32 s2, $0x0  }
0x58: {  	s3 =	rddreg [dreg:$0x2];
	[bflag:$0x3] =	sbarrier.arrive $0xFFFF;
	s2 =	simm.s32 @!p0 $0x1C01  }
0x59: {  	[timem:s3], [sflag:s2] =	dma.local @!p0 [hbm:s0], s1  }
0x5a: {  	s0 =	simm.s32 @!p0 $0x1  }
0x5b: {  	_ =	swait.ge @!p0 [sflag:s0], s1  }
0x5c: {  	s1 =	ssub.s32 @!p0 $0x0, s1;
	[sflag:s0] =	ssyncset.done @!p0 $0x0  }
0x5d: {  	[sflag:s0] =	ssyncadd.s32 @!p0 s1  }
0x5e: {  	[bflag:$0x3] =	sbarrier.arrive $0xFFFF  }
0x5f: {  	_ =	shalt  }

// kernel: gather_offload_async_start.3
scs
__scs_entry_jumppad:
0x0: {  	(pc) =	sbr.rel $0x88, $3  }
0x1: {  	(tag) =	ssettag $0x0;
	lr =	simm.s32 $0x1  }
0x2: {  	[smem:$0x3F9D] =	sst lr;
	_ =	strace $0xD0000000  }
0x3: {  	_ = 	snop  }
0x4: {  	_ = 	snop  }
0x5: {  	_ = 	snop  }
0x6: {  	_ = 	snop  }
0x7: {  	_ = 	snop  }
__scs_overlays_trampoline_lowered:
0x8: {  	[smem:$0x3FAC] =	sst s0  }
0x9: {  	[smem:$0x3FAD] =	sst s1  }
0xa: {  	[smem:$0x3FAE] =	sst s2  }
0xb: {  	[smem:$0x3FAF] =	sst s3  }
0xc: {  	[smem:$0x3FB0] =	sst s4  }
0xd: {  	[smem:$0x3FB1] =	sst s5  }
0xe: {  	[smem:$0x3FB2] =	sst s6  }
0xf: {  	[smem:$0x3FB3] =	sst s7  }
0x10: {  	[smem:$0x3FB4] =	sst s8  }
0x11: {  	[smem:$0x3FB5] =	sst s9;
	s0 =	simm.s32 @!p0 $0x0  }
0x12: {  	s1 =	sld [smem:$0x3F9B];
	s0 =	simm.s32 @p0 $0x1  }
0x13: {  	[smem:$0x3FB6] =	sst s0;
	s0 =	simm.s32 @!p1 $0x0  }
0x14: {  	s2 =	sld [smem:$0x3F9A];
	s0 =	simm.s32 @p1 $0x1  }
0x15: {  	[smem:$0x3FB7] =	sst s0;
	s0 =	simm.s32 @!p2 $0x0  }
0x16: {  	s3 =	sld [smem:$0x3FDB];
	s0 =	simm.s32 @p2 $0x1  }
0x17: {  	s4 =	simm.s32 $0x1BF5;
	[smem:$0x3FB9] =	sst s0  }
0x18: {  	s0 =	sld [smem:$0x3F9C];
	_ =	swait.ge [sflag:s4], $0x0  }
0x19: {  	s7 =	sld [smem:$0x3F9D]  }
0x1a: {  	s8 =	sadd.s32 $0xFFFFE003, lr  }
0x1b: {  	s9 =	sadd.s32 $0xFFFFFEF7, lr;
	s5 =	simm.s32 $0xFFFFFFFF;
	p2 =	slt.u32 s8, $0xFFFFF086  }
0x1c: {  	p1 =	slt.u32 s9, $0xF7A;
	s5 =	simm.s32 @!p2 $0x0  }
0x1d: {  	s5 =	simm.s32 @p1 $0x1;
	p0 =	seq.s32 s7, s2  }
0x1e: {  	s7 =	smul.u32 @!p0 $0xF7A, s2;
	p2 =	seq.s32 @!p0 s5, $0x0  }
0x1f: {  	s9 =	smul.u32 $0xF7A, s1;
	s8 =	simm.s32 @!p0 $0x1BF5;
	p2 =	por !p2, p0  }
0x20: {  	[sflag:s8] =	ssyncset.s32 @!p0 $0xFFFFF086;
	s6 =	sadd.s32 @!p0 s3, s7;
	s7 =	simm.s32 @!p0 $0x108  }
0x21: {  	s3 =	sadd.s32 s3, s9;
	s6 =	sadd.s32 @!p0 $0x88, s6;
	s7 =	simm.s32 @p2 $0x1082  }
0x22: {  	[simem:s7], [sflag:s8] =	dma.local @!p0 [hbm:s6], $0xF7A  }
0x23: {  	s9 =	sor.u32 $0xD0000000, s2;
	s6 =	simm.s32 $0x108;
	_ =	swait.ge @!p0 [sflag:s8], $0x0  }
0x24: {  	s3 =	sadd.s32 $0x88, s3;
	s6 =	simm.s32 @!p1 $0x1082;
	[sflag:s4] =	ssyncset.s32 $0xFFFFF086  }
0x25: {  	[simem:s6], [sflag:s4] =	dma.local [hbm:s3], $0xF7A  }
0x26: {  	[smem:$0x3F9D] =	sst s1;
	(tag) =	ssettag s2;
	_ =	strace s9  }
0x27: {  	s1 =	sld [smem:$0x3FAD]  }
0x28: {  	s2 =	sld [smem:$0x3FAE]  }
0x29: {  	s4 =	sld [smem:$0x3FB0]  }
0x2a: {  	p0 =	seq.s32 s5, $0x0;
	s5 =	sld [smem:$0x3FB1]  }
0x2b: {  	s6 =	sld [smem:$0x3FB2]  }
0x2c: {  	s7 =	sld [smem:$0x3FB3]  }
0x2d: {  	s3 =	simm.s32 $0x108;
	s8 =	sld [smem:$0x3FB4]  }
0x2e: {  	s3 =	simm.s32 @!p0 $0x1082;
	s9 =	sld [smem:$0x3FB5]  }
0x2f: {  	lr =	sadd.s32 s0, s3;
	s0 =	sld [smem:$0x3FAC]  }
0x30: {  	s3 =	sld [smem:$0x3FAF]  }
0x31: {  	[smem:$0x3FB8] =	sst s10  }
0x32: {  	s10 =	sld [smem:$0x3FB6];
	_ =	sdelay $0x3  }
0x33: {  	p0 =	seq.s32 s10, $0x1;
	s10 =	sld [smem:$0x3FB8];
	_ =	sdelay $0x3  }
0x34: {  	[smem:$0x3FB8] =	sst s10  }
0x35: {  	s10 =	sld [smem:$0x3FB7];
	_ =	sdelay $0x3  }
0x36: {  	p1 =	seq.s32 s10, $0x1;
	s10 =	sld [smem:$0x3FB8];
	_ =	sdelay $0x3  }
0x37: {  	[smem:$0x3FB8] =	sst s10  }
0x38: {  	s10 =	sld [smem:$0x3FB9]  }
0x39: {  	_ = 	snop;
	(pc) =	sbr.ind lr, $3  }
0x3a: {  	_ = 	snop  }
0x3b: {  	_ = 	snop  }
0x3c: {  	p2 =	seq.s32 s10, $0x1;
	s10 =	sld [smem:$0x3FB8]  }
0x3d: {  	_ =	shalt  }
0x3e: {  	_ =	shalt  }
0x3f: {  	_ =	shalt  }
0x40: {  	_ =	shalt  }
0x41: {  	_ =	shalt  }
0x42: {  	_ =	shalt  }
0x43: {  	_ =	shalt  }
0x44: {  	_ =	shalt  }
0x45: {  	_ =	shalt  }
0x46: {  	_ =	shalt  }
0x47: {  	_ =	shalt  }
0x48: {  	_ =	shalt  }
0x49: {  	_ =	shalt  }
0x4a: {  	_ =	shalt  }
0x4b: {  	_ =	shalt  }
0x4c: {  	_ =	shalt  }
0x4d: {  	_ =	shalt  }
0x4e: {  	_ =	shalt  }
0x4f: {  	_ =	shalt  }
0x50: {  	_ =	shalt  }
0x51: {  	_ =	shalt  }
0x52: {  	_ =	shalt  }
0x53: {  	_ =	shalt  }
0x54: {  	_ =	shalt  }
0x55: {  	_ =	shalt  }
0x56: {  	_ =	shalt  }
0x57: {  	_ =	shalt  }
0x58: {  	_ =	shalt  }
0x59: {  	_ =	shalt  }
0x5a: {  	_ =	shalt  }
0x5b: {  	_ =	shalt  }
0x5c: {  	_ =	shalt  }
0x5d: {  	_ =	shalt  }
0x5e: {  	_ =	shalt  }
0x5f: {  	_ =	shalt  }
0x60: {  	_ =	shalt  }
0x61: {  	_ =	shalt  }
0x62: {  	_ =	shalt  }
0x63: {  	_ =	shalt  }
0x64: {  	_ =	shalt  }
0x65: {  	_ =	shalt  }
0x66: {  	_ =	shalt  }
0x67: {  	_ =	shalt  }
0x68: {  	_ =	shalt  }
0x69: {  	_ =	shalt  }
0x6a: {  	_ =	shalt  }
0x6b: {  	_ =	shalt  }
0x6c: {  	_ =	shalt  }
0x6d: {  	_ =	shalt  }
0x6e: {  	_ =	shalt  }
0x6f: {  	_ =	shalt  }
0x70: {  	_ =	shalt  }
0x71: {  	_ =	shalt  }
0x72: {  	_ =	shalt  }
0x73: {  	_ =	shalt  }
0x74: {  	_ =	shalt  }
0x75: {  	_ =	shalt  }
0x76: {  	_ =	shalt  }
0x77: {  	_ =	shalt  }
0x78: {  	_ =	shalt  }
0x79: {  	_ =	shalt  }
0x7a: {  	_ =	shalt  }
0x7b: {  	_ =	shalt  }
0x7c: {  	_ =	shalt  }
0x7d: {  	_ =	shalt  }
0x7e: {  	_ =	shalt  }
0x7f: {  	_ =	shalt  }
0x80: {  	_ =	shalt  }
0x81: {  	_ =	shalt  }
0x82: {  	_ =	shalt  }
0x83: {  	_ =	shalt  }
0x84: {  	_ =	shalt  }
0x85: {  	_ =	shalt  }
0x86: {  	_ =	shalt  }
0x87: {  	_ =	shalt  }
.Lfunc_end0:
.L_simem_size_0:
called_computation.3_lowered:
.L_overlay_start_0:
0x88: {  	s2 =	sld [smem:$0x3FD9]  }
0x89: {  	s3 =	sld [smem:$0x3FFE];
	_ =	sdelay $0x1  }
0x8a: {  	s1 =	srdreg.scid  }
0x8b: {  	s0 =	sand.u32 $0x1, s1  }
0x8c: {  	s16 =	sshll.u32 s0, $0xA;
	s2 =	sadd.s32 s3, s2  }
0x8d: {  	s2 =	sadd.s32 s2, s16  }
0x8e: {  	[smem:$0x3FC4] =	sst s2  }
0x8f: {  	_ = 	snop  }
0x90: {  	(tm) =	ssettm $0x1  }
0x91: {  	s17 =	sld [smem:$0x3FFB];
	_ =	sdelay $0x3  }
0x92: {  	_ =	strace s17  }
0x93: {  	s2 =	sld [smem:$0x3FFC];
	_ =	sdelay $0x3  }
0x94: {  	_ =	strace s2  }
0x95: {  	s2 =	sld [smem:$0x3FFD];
	_ =	sdelay $0x3  }
0x96: {  	_ =	strace s2  }
0x97: {  	_ =	strace $0x8FFFFFFF  }
0x98: {  	s18 =	sld [smem:$0x3FDB];
	_ =	sdelay $0x1  }
0x99: {  	s19 =	simm.s32 $_scs_section_size  }
0x9a: {  	s4 =	simm.s32 $_size__tile_overlayer_lowered;
	s5 =	simm.s32 $_tile_overlayer_lowered  }
0x9b: {  	s22 =	simm.s32 $0x1BFF;
	s21 =	sshll.u32 s5, $0x1;
	s2 =	sadd.s32 s19, s18  }
0x9c: {  	s6 =	simm.s32 $0x0;
	s20 =	sshll.u32 s4, $0x1;
	s4 =	sadd.s32 s21, s2  }
0x9d: {  	[timem:s6], [sflag:s22] =	dma.local [hbm:s4], s20  }
0x9e: {  	_ =	swait.ge [sflag:s22], s20  }
0x9f: {  	s3 =	ssub.s32 $0x0, s20;
	[sflag:s22] =	ssyncset.done $0x0  }
0xa0: {  	[sflag:s22] =	ssyncadd.s32 s3;
	_ =	sdelay $0x1  }
0xa1: {  	s23 =	simm.s32 $0x1B8B  }
0xa2: {  	_ =	swait.ge [sflag:s23], $0x1  }
0xa3: {  	[sflag:s23] =	ssyncset.done $0x0  }
0xa4: {  	s25 =	simm.s32 $0x1B8E;
	s24 =	sld [smem:$0x3FFE];
	[sflag:s23] =	ssyncadd.s32 $0xFFFFFFFF  }
0xa5: {  	s26 =	simm.s32 $execute0_lowered;
	[smem:$0x3FD2] =	sst s25  }
0xa6: {  	s4 =	sshll.u32 s26, $0x1;
	_ =	strace $0x80000046;
	[dreg:$0x1] =	wrdreg $0xFFFFFFFF  }
0xa7: {  	s28 =	simm.s32 $_size_execute0_lowered;
	s2 =	sadd.s32 s2, s4;
	[dreg:$0x0] =	wrdreg $0x0  }
0xa8: {  	s4 =	sshll.u32 s28, $0x1;
	[dreg:$0x2] =	wrdreg s2  }
0xa9: {  	[dreg:$0x3] =	wrdreg s4  }
0xaa: {  	[dreg:$0x4] =	wrdreg $0xC0  }
0xab: {  	_ =	task [dreg:s6], $0x5FFFF  }
0xac: {  	[dreg:$0x1] =	wrdreg $0xFFFFFFFF  }
0xad: {  	[dreg:$0x0] =	wrdreg $0x60  }
0xae: {  	[dreg:$0x2] =	wrdreg s24  }
0xaf: {  	[dreg:$0x3] =	wrdreg $0x9  }
0xb0: {  	_ =	task.clear_ibuf [dreg:s6], $0x4FFFF;
	_ =	strace $0x90000046  }
0xb1: {  	s29 =	simm.s32 $0x9;
	_ =	strace $0x80000048  }
0xb2: {  	_ =	swait.ge [sflag:s29], $0x1  }
0xb3: {  	[sflag:s29] =	ssyncadd.s32 $0xFFFFFFFF  }
0xb4: {  	_ =	strace $0x90000048  }
0xb5: {  	_ =	sfence  }
0xb6: {  	s30 =	sld [smem:$0x0];
	_ =	sdelay $0x2  }
0xb7: {  	s31 =	sshll.u32 s1, $0xD;
	s1 =	sshrl.u32 s1, $0x2  }
0xb8: {  	s3 =	sand.u32 $0x4000, s31;
	s1 =	sadd.s32 s1, s30  }
0xb9: {  	s0 =	sor.u32 s3, s0;
	s1 =	sshll.u32 s1, $0x11  }
0xba: {  	s0 =	sor.u32 s1, s0  }
0xbb: {  	s0 =	sadd.s32 $0x8F2B, s0  }
0xbc: {  	[sflag:s0] =	ssyncadd.remote.s32 $0x1  }
0xbd: {  	_ =	sfence.sel $0xFFFF  }
0xbe: {  	[dreg:$0x0] =	wrdreg $0xFFFFFFFF;
	(pc) =	sbr.abs _section_cstart, $3  }
0xbf: {  	[dreg:$0x1] =	wrdreg $0xFFFFFFFF  }
0xc0: {  	_ =	task.clear_ibuf [dreg:s6], $0x2FFFF;
	_ =	strace $0x9FFFFFFF  }
0xc1: {  	(tm) =	ssettm $0x7FFFFFFF  }
tec
execute0_lowered:
.L_overlay_start_1:
0x0: {  	(tag) =	ssettag $0x1  }
0x1: {  	s8 =	rddreg [dreg:$0x0];
	s1 =	stileid.u32  }
0x2: {  	s2 =	srdreg.scid;
	s0 =	rddreg [dreg:$0x1]  }
0x3: {  	_ =	strace $0x80000047;
	s5 =	simm.s32 $0x1;
	s9 =	simm.s32 $0x1  }
0x4: {  	s10 =	simm.s32 $0x3;
	s2 =	sand.u32 $0x1, s2;
	s3 =	sshll.u32 s1, $0x1  }
0x5: {  	s13 =	simm.s32 $0x0;
	s12 =	simm.s32 $0x0;
	s6 =	sor.u32 s3, s2  }
0x6: {  	[sflag:s5] =	ssyncpa.u1 $0x0;
	s2 =	sadd.s32 $0xE00, s8;
	s4 =	smul.u32 $0x4B0, s6  }
0x7: {  	s3 =	sadd.s32 $0x19E00, s8;
	p0 =	slt.u32 s6, $0x9;
	s6 =	simm.s32 $0x9600  }
.Ltmp0:
0x8: {  	s6 =	simm.s32 @!p0 $0x0;
	s7 =	ssub.s32 $0xBB80, s4;
	(pc) =	sbr.rel .LBB2_1-.Ltmp0, $4  }
0x9: {  	s9 =	simm.s32 @!p0 $0x0;
	p0 =	sne.s32 s7, s6;
	s7 =	simm.s32 $0x1  }
0xa: {  	s8 =	sadd.s32 $0x1B600, s8;
	s6 =	simm.s32 $0x2;
	s7 =	simm.s32 @!p0 $0x0  }
0xb: {  	s11 =	smov.u32 s4;
	[sflag:s6] =	ssyncpa.u1 $0x0;
	s7 =	sadd.s32 s9, s7  }
0xc: {  	vm0 =	vmmov $0xffff;
	[sflag:s10] =	ssyncpa.u1 $0x0;
	s10 =	simm.s32 $0x0;
	s9 =	sadd.s32 $0x1, s7  }
.LBB2_4:
0xd: {  	vm1 =	veq.s32 v4, $0x80000000;
	v56 =	vand.u32 $0x7, v4;
	v6 =	vand.u32 $0x7FFF, v6  }
0xe: {  	v2 =	vor.u32 v2, v5;
	v59 =	vshrl.u32 v1, $0x3;
	v60 =	vand.u32 $0x7, v1  }
0xf: {  	v4 =	vsel vm1, $0xFFFFFFFF, v56;
	v6 =	vsel vm1, $0xFFFFFFFF, v6;
	v2 =	vor.u32 v3, v2  }
0x10: {  	vm1 =	veq.s32 v1, $0x80000000;
	v5 =	vand.u32 $0x7FFF, v59;
	v7 =	vshrl.u32 v4, $0x3  }
0x11: {  	v57 =	vshll.u32 v6, $0x3;
	v4 =	vshll.u32 v4, $0x7;
	v1 =	vsel vm1, $0xFFFFFFFF, v60  }
0x12: {  	v5 =	vsel vm1, $0xFFFFFFFF, v5;
	v6 =	vand.u32 $0x7F, v6;
	v7 =	vmul.u32 $0x28000, v7  }
0x13: {  	v58 =	vand.u32 $0xFFFFFC00, v57;
	v4 =	vand.u32 $0x380, v4;
	v61 =	vshrl.u32 v1, $0x3  }
0x14: {  	v62 =	vshll.u32 v5, $0x3;
	v3 =	vadd.s32 v7, v58;
	v7 =	vmul.u32 $0x28000, v61  }
0x15: {  	v1 =	vshll.u32 v1, $0x7;
	v3 =	vor.u32 v4, v3;
	v4 =	vand.u32 $0xFFFFFC00, v62  }
0x16: {  	v1 =	vand.u32 $0x380, v1;
	v3 =	vor.u32 v6, v3;
	v4 =	vadd.s32 v7, v4  }
0x17: {  	[tilespmem:s16], [sflag:$0x1] =	stream.indirect_vreg.gather [hbm4b:s2+s10], $0x1, v0, vm0, $0x4038;
	v63 =	vand.u32 $0x7F, v5;
	v1 =	vor.u32 v1, v4;
	[tilespmem:$0x12C0] =	vst v63  }
0x18: {  	s15 =	sadd.s32 $0x10, s15;
	(ifvalue) =	ssetifvalue $0x7FFFFFFF;
	v0 =	vor.u32 v63, v1  }
0x19: {  	[tilespmem:s15], [sflag:$0x1] =	stream.indirect_vreg.gather [hbm4b:s2+s10], $0x1, v2, vm0, $0x4038;
	[tilespmem:$0x12C0] =	vst v63  }
0x1a: {  	s15 =	sadd.s32 $0x10, s15;
	(ifvalue) =	ssetifvalue $0x7FFFFFFF  }
0x1b: {  	[tilespmem:s15], [sflag:$0x1] =	stream.indirect_vreg.gather [hbm4b:s2+s10], $0x1, v3, vm0, $0x4038;
	[tilespmem:$0x12C0] =	vst v63  }
0x1c: {  	s15 =	sadd.s32 $0x10, s15;
	(ifvalue) =	ssetifvalue $0x7FFFFFFF  }
0x1d: {  	[tilespmem:s15], [sflag:$0x1] =	stream.indirect_vreg.gather [hbm4b:s2+s10], $0x1, v0, vm0, $0x4038;
	[tilespmem:$0x12C0] =	vst v63  }
0x1e: {  	_ =	swait.ge [sflag:s5], $0x4B0  }
0x1f: {  	s30 =	sshrl.u32 s13, $0x3;
	[sflag:s5] =	ssyncset.done $0x0  }
0x20: {  	s31 =	sand.u32 $0x7, s13;
	s15 =	sadd.s32 s8, s30;
	[sflag:s5] =	ssyncadd.s32 $0xFFFFFB50  }
0x21: {  	[hbm4b:s15+s31] =	stream.linear.scatter [tilespmem:s14], [sflag:$0x3], $0x4B0, $0x38;
	[tilespmem:$0x12C0] =	vst v63  }
.LBB2_5:
0x22: {  	s15 =	sadd.s32 $0x9600, s11  }
0x23: {  	p1 =	sgt.s32 s15, $0xBB7F  }
0x24: {  	s15 =	smov.u32 @p1 s4;
	p1 =	sne.s32 s12, s9  }
.Ltmp1:
0x25: {  	p0 =	slt.u32 s12, $0x2;
	(pc) =	sbr.rel @!p1 .LBB2_6-.Ltmp1, $4  }
0x26: {  	s14 =	simm.s32 @!p0 $0x3  }
0x27: {  	_ =	swait.ge @!p0 [sflag:s14], $0x4B0  }
0x28: {  	s16 =	sadd.s32 $0x1, s12;
	s13 =	smov.u32 s11;
	[sflag:s14] =	ssyncset.done @!p0 $0x0  }
0x29: {  	s12 =	smov.u32 s16;
	s11 =	smov.u32 s15;
	[sflag:s14] =	ssyncadd.s32 @!p0 $0xFFFFFB50  }
.LBB2_1:
0x2a: {  	p0 =	sge.u32 s12, s7  }
0x2b: {  	s14 =	sxor.u32 @!p0 $0x1, s12  }
0x2c: {  	s14 =	smul.u32 @!p0 $0x12C0, s14  }
0x2d: {  	s31 =	sadd.s32 $0xFFFFFFFF, s12;
	s15 =	sshrl.u32 @!p0 s11, $0x3  }
0x2e: {  	s16 =	sand.u32 @!p0 $0x7, s11;
	s15 =	sadd.s32 @!p0 s3, s15;
	s14 =	sshra.s32 @!p0 s14, $0x2  }
0x2f: {  	[tilespmem:s14], [sflag:$0x2] =	stream.linear.gather @!p0 [hbm4b:s15+s16], $0x4B0, $0x38;
	[tilespmem:$0x12C0] =	vst v63  }
0x30: {  	p0 =	sge.u32 s31, s7  }
.Ltmp2:
0x31: {  	_ = 	snop;
	(pc) =	sbr.rel @p0 .LBB2_5-.Ltmp2, $1  }
0x32: {  	_ =	sdelay $0x3  }
0x33: {  	s14 =	sand.u32 $0x1, s12  }
0x34: {  	_ =	swait.ge [sflag:s6], $0x4B0;
	p0 =	seq.s32 s14, $0x1;
	s14 =	simm.s32 $0x4B0  }
0x35: {  	[sflag:s6] =	ssyncset.done $0x0;
	s14 =	simm.s32 @!p0 $0x0  }
0x36: {  	[sflag:s6] =	ssyncadd.s32 $0xFFFFFB50;
	(ifvalue) =	ssetifvalue $0x7FFFFFFF;
	v0 =	vld.msk [tilespmem:s14+$0x0 ss:$0x1], $0xffff  }
0x37: {  	s15 =	sadd.s32 $0x10, s14  }
0x38: {  	v1 =	vld.msk [tilespmem:s15+$0x0 ss:$0x1], $0xffff;
	_ =	sdelay $0x2  }
0x39: {  	v2 =	vshrl.u32 v0, $0x3  }
0x3a: {  	vm1 =	veq.s32 v0, $0x80000000;
	v0 =	vand.u32 $0x7, v0;
	v2 =	vand.u32 $0x7FFF, v2  }
0x3b: {  	v0 =	vsel vm1, $0xFFFFFFFF, v0;
	v6 =	vshrl.u32 v1, $0x3;
	v2 =	vsel vm1, $0xFFFFFFFF, v2  }
0x3c: {  	v3 =	vshrl.u32 v0, $0x3;
	v0 =	vshll.u32 v0, $0x7;
	vm1 =	veq.s32 v1, $0x80000000  }
0x3d: {  	s15 =	sadd.s32 $0x10, s15;
	v1 =	vand.u32 $0x7, v1;
	v4 =	vshll.u32 v2, $0x3;
	v3 =	vmul.u32 $0x28000, v3  }
0x3e: {  	v0 =	vand.u32 $0x380, v0;
	v7 =	vand.u32 $0x7F, v2;
	v5 =	vand.u32 $0xFFFFFC00, v4;
	v4 =	vld.msk [tilespmem:s15+$0x0 ss:$0x1], $0xffff  }
0x3f: {  	v1 =	vsel vm1, $0xFFFFFFFF, v1;
	v2 =	vadd.s32 v3, v5;
	v3 =	vand.u32 $0x7FFF, v6  }
0x40: {  	v3 =	vsel vm1, $0xFFFFFFFF, v3;
	v0 =	vor.u32 v0, v2;
	v2 =	vshrl.u32 v1, $0x3  }
0x41: {  	v1 =	vshll.u32 v1, $0x7;
	v5 =	vshll.u32 v3, $0x3;
	v8 =	vmul.u32 $0x28000, v2  }
0x42: {  	s18 =	simm.s32 $0x30;
	s14 =	sadd.s32 $0x960, s14;
	s17 =	sadd.s32 $0x10, s15;
	v2 =	vand.u32 $0x380, v1;
	v0 =	vor.u32 v7, v0;
	v5 =	vand.u32 $0xFFFFFC00, v5  }
0x43: {  	s16 =	smov.u32 s14;
	s15 =	smov.u32 s14;
	v1 =	vld.msk [tilespmem:s17+$0x0 ss:$0x1], $0xffff;
	v3 =	vand.u32 $0x7F, v3;
	(ifvalue) =	ssetifvalue $0x7FFFFFFF;
	v6 =	vshrl.u32 v4, $0x3;
	v5 =	vadd.s32 v8, v5  }
.LBB2_3:
0x44: {  	s18 =	sadd.s32 $0x10, s18  }
0x45: {  	vm1 =	veq.s32 v4, $0x80000000;
	v4 =	vand.u32 $0x7, v4;
	v6 =	vand.u32 $0x7FFF, v6;
	s15 =	sadd.s32 $0x10, s15;
	p0 =	slt.u32 s18, $0x4A0  }
.Ltmp3:
0x46: {  	v5 =	vor.u32 v2, v5;
	v4 =	vsel vm1, $0xFFFFFFFF, v4;
	v7 =	vsel vm1, $0xFFFFFFFF, v6;
	(pc) =	sbr.rel @p0 .LBB2_3-.Ltmp3, $4  }
0x47: {  	v2 =	vshrl.u32 v4, $0x3;
	v6 =	vshll.u32 v7, $0x3;
	v4 =	vshll.u32 v4, $0x7;
	[tilespmem:s16], [sflag:$0x1] =	stream.indirect_vreg.gather [hbm4b:s2+s10], $0x1, v0, vm0, $0x4038;
	[tilespmem:$0x12C0] =	vst v63  }
0x48: {  	v0 =	vor.u32 v3, v5;
	s16 =	smov.u32 s15;
	v8 =	vmul.u32 $0x28000, v2;
	v2 =	vand.u32 $0x380, v4  }
0x49: {  	s17 =	sadd.s32 $0x10, s17;
	v9 =	vand.u32 $0xFFFFFC00, v6  }
0x4a: {  	v3 =	vand.u32 $0x7F, v7;
	v6 =	vshrl.u32 v1, $0x3;
	v5 =	vadd.s32 v8, v9;
	(ifvalue) =	ssetifvalue $0x7FFFFFFF;
	v4 =	vmovc v1;
	v1 =	vld.msk [tilespmem:s17+$0x0 ss:$0x1], $0xffff  }
.Ltmp4:
0x4b: {  	_ = 	snop;
	(pc) =	sbr.rel .LBB2_4-.Ltmp4, $1  }
0x4c: {  	_ =	sdelay $0x3  }
.LBB2_6:
0x4d: {  	_ =	sfence.sel $0x180000  }
0x4e: {  	s2 =	simm.s32 $0x2;
	[bflag:$0x0] =	sbarrier.arrive $0xFFFF  }
0x4f: {  	s30 =	simm.s32 $0x3;
	[sflag:s2] =	ssyncpa.u1 $0x1  }
0x50: {  	s31 =	simm.s32 $0x1;
	[sflag:s30] =	ssyncpa.u1 $0x1  }
0x51: {  	[sflag:s31] =	ssyncpa.u1 $0x1  }
0x52: {  	p0 =	sne.s32 s1, $0x0;
	_ =	strace $0x90000047  }
0x53: {  	s0 =	sadd.s32 @!p0 $0x100000, s0;
	[bflag:$0x2] =	sbarrier.arrive $0xFFFF  }
0x54: {  	[sflag:s0] =	ssyncadd.tile.s32 @!p0 $0x1;
	_ =	shalt  }
.Lfunc_end2:
_tile_overlayer_lowered:
.L_overlay_start_2:
0x55: {  	(tag) =	ssettag $0x2  }
0x56: {  	s0 =	rddreg [dreg:$0x0];
	s2 =	stileid.u32  }
0x57: {  	s1 =	rddreg [dreg:$0x1];
	p0 =	sne.s32 s2, $0x0  }
0x58: {  	s3 =	rddreg [dreg:$0x2];
	[bflag:$0x3] =	sbarrier.arrive $0xFFFF;
	s2 =	simm.s32 @!p0 $0x1C01  }
0x59: {  	[timem:s3], [sflag:s2] =	dma.local @!p0 [hbm:s0], s1  }
0x5a: {  	s0 =	simm.s32 @!p0 $0x1  }
0x5b: {  	_ =	swait.ge @!p0 [sflag:s0], s1  }
0x5c: {  	s1 =	ssub.s32 @!p0 $0x0, s1;
	[sflag:s0] =	ssyncset.done @!p0 $0x0  }
0x5d: {  	[sflag:s0] =	ssyncadd.s32 @!p0 s1  }
0x5e: {  	[bflag:$0x3] =	sbarrier.arrive $0xFFFF  }
0x5f: {  	_ =	shalt  }

// kernel: gather_offload_async_start
scs
__scs_entry_jumppad:
0x0: {  	(pc) =	sbr.rel $0x88, $3  }
0x1: {  	(tag) =	ssettag $0x0;
	lr =	simm.s32 $0x1  }
0x2: {  	[smem:$0x3F9D] =	sst lr;
	_ =	strace $0xD0000000  }
0x3: {  	_ = 	snop  }
0x4: {  	_ = 	snop  }
0x5: {  	_ = 	snop  }
0x6: {  	_ = 	snop  }
0x7: {  	_ = 	snop  }
__scs_overlays_trampoline_lowered:
0x8: {  	[smem:$0x3FAC] =	sst s0  }
0x9: {  	[smem:$0x3FAD] =	sst s1  }
0xa: {  	[smem:$0x3FAE] =	sst s2  }
0xb: {  	[smem:$0x3FAF] =	sst s3  }
0xc: {  	[smem:$0x3FB0] =	sst s4  }
0xd: {  	[smem:$0x3FB1] =	sst s5  }
0xe: {  	[smem:$0x3FB2] =	sst s6  }
0xf: {  	[smem:$0x3FB3] =	sst s7  }
0x10: {  	[smem:$0x3FB4] =	sst s8  }
0x11: {  	[smem:$0x3FB5] =	sst s9;
	s0 =	simm.s32 @!p0 $0x0  }
0x12: {  	s1 =	sld [smem:$0x3F9B];
	s0 =	simm.s32 @p0 $0x1  }
0x13: {  	[smem:$0x3FB6] =	sst s0;
	s0 =	simm.s32 @!p1 $0x0  }
0x14: {  	s2 =	sld [smem:$0x3F9A];
	s0 =	simm.s32 @p1 $0x1  }
0x15: {  	[smem:$0x3FB7] =	sst s0;
	s0 =	simm.s32 @!p2 $0x0  }
0x16: {  	s3 =	sld [smem:$0x3FDB];
	s0 =	simm.s32 @p2 $0x1  }
0x17: {  	s4 =	simm.s32 $0x1BF5;
	[smem:$0x3FB9] =	sst s0  }
0x18: {  	s0 =	sld [smem:$0x3F9C];
	_ =	swait.ge [sflag:s4], $0x0  }
0x19: {  	s7 =	sld [smem:$0x3F9D]  }
0x1a: {  	s8 =	sadd.s32 $0xFFFFE003, lr  }
0x1b: {  	s9 =	sadd.s32 $0xFFFFFEF7, lr;
	s5 =	simm.s32 $0xFFFFFFFF;
	p2 =	slt.u32 s8, $0xFFFFF086  }
0x1c: {  	p1 =	slt.u32 s9, $0xF7A;
	s5 =	simm.s32 @!p2 $0x0  }
0x1d: {  	s5 =	simm.s32 @p1 $0x1;
	p0 =	seq.s32 s7, s2  }
0x1e: {  	s7 =	smul.u32 @!p0 $0xF7A, s2;
	p2 =	seq.s32 @!p0 s5, $0x0  }
0x1f: {  	s9 =	smul.u32 $0xF7A, s1;
	s8 =	simm.s32 @!p0 $0x1BF5;
	p2 =	por !p2, p0  }
0x20: {  	[sflag:s8] =	ssyncset.s32 @!p0 $0xFFFFF086;
	s6 =	sadd.s32 @!p0 s3, s7;
	s7 =	simm.s32 @!p0 $0x108  }
0x21: {  	s3 =	sadd.s32 s3, s9;
	s6 =	sadd.s32 @!p0 $0x88, s6;
	s7 =	simm.s32 @p2 $0x1082  }
0x22: {  	[simem:s7], [sflag:s8] =	dma.local @!p0 [hbm:s6], $0xF7A  }
0x23: {  	s9 =	sor.u32 $0xD0000000, s2;
	s6 =	simm.s32 $0x108;
	_ =	swait.ge @!p0 [sflag:s8], $0x0  }
0x24: {  	s3 =	sadd.s32 $0x88, s3;
	s6 =	simm.s32 @!p1 $0x1082;
	[sflag:s4] =	ssyncset.s32 $0xFFFFF086  }
0x25: {  	[simem:s6], [sflag:s4] =	dma.local [hbm:s3], $0xF7A  }
0x26: {  	[smem:$0x3F9D] =	sst s1;
	(tag) =	ssettag s2;
	_ =	strace s9  }
0x27: {  	s1 =	sld [smem:$0x3FAD]  }
0x28: {  	s2 =	sld [smem:$0x3FAE]  }
0x29: {  	s4 =	sld [smem:$0x3FB0]  }
0x2a: {  	p0 =	seq.s32 s5, $0x0;
	s5 =	sld [smem:$0x3FB1]  }
0x2b: {  	s6 =	sld [smem:$0x3FB2]  }
0x2c: {  	s7 =	sld [smem:$0x3FB3]  }
0x2d: {  	s3 =	simm.s32 $0x108;
	s8 =	sld [smem:$0x3FB4]  }
0x2e: {  	s3 =	simm.s32 @!p0 $0x1082;
	s9 =	sld [smem:$0x3FB5]  }
0x2f: {  	lr =	sadd.s32 s0, s3;
	s0 =	sld [smem:$0x3FAC]  }
0x30: {  	s3 =	sld [smem:$0x3FAF]  }
0x31: {  	[smem:$0x3FB8] =	sst s10  }
0x32: {  	s10 =	sld [smem:$0x3FB6];
	_ =	sdelay $0x3  }
0x33: {  	p0 =	seq.s32 s10, $0x1;
	s10 =	sld [smem:$0x3FB8];
	_ =	sdelay $0x3  }
0x34: {  	[smem:$0x3FB8] =	sst s10  }
0x35: {  	s10 =	sld [smem:$0x3FB7];
	_ =	sdelay $0x3  }
0x36: {  	p1 =	seq.s32 s10, $0x1;
	s10 =	sld [smem:$0x3FB8];
	_ =	sdelay $0x3  }
0x37: {  	[smem:$0x3FB8] =	sst s10  }
0x38: {  	s10 =	sld [smem:$0x3FB9]  }
0x39: {  	_ = 	snop;
	(pc) =	sbr.ind lr, $3  }
0x3a: {  	_ = 	snop  }
0x3b: {  	_ = 	snop  }
0x3c: {  	p2 =	seq.s32 s10, $0x1;
	s10 =	sld [smem:$0x3FB8]  }
0x3d: {  	_ =	shalt  }
0x3e: {  	_ =	shalt  }
0x3f: {  	_ =	shalt  }
0x40: {  	_ =	shalt  }
0x41: {  	_ =	shalt  }
0x42: {  	_ =	shalt  }
0x43: {  	_ =	shalt  }
0x44: {  	_ =	shalt  }
0x45: {  	_ =	shalt  }
0x46: {  	_ =	shalt  }
0x47: {  	_ =	shalt  }
0x48: {  	_ =	shalt  }
0x49: {  	_ =	shalt  }
0x4a: {  	_ =	shalt  }
0x4b: {  	_ =	shalt  }
0x4c: {  	_ =	shalt  }
0x4d: {  	_ =	shalt  }
0x4e: {  	_ =	shalt  }
0x4f: {  	_ =	shalt  }
0x50: {  	_ =	shalt  }
0x51: {  	_ =	shalt  }
0x52: {  	_ =	shalt  }
0x53: {  	_ =	shalt  }
0x54: {  	_ =	shalt  }
0x55: {  	_ =	shalt  }
0x56: {  	_ =	shalt  }
0x57: {  	_ =	shalt  }
0x58: {  	_ =	shalt  }
0x59: {  	_ =	shalt  }
0x5a: {  	_ =	shalt  }
0x5b: {  	_ =	shalt  }
0x5c: {  	_ =	shalt  }
0x5d: {  	_ =	shalt  }
0x5e: {  	_ =	shalt  }
0x5f: {  	_ =	shalt  }
0x60: {  	_ =	shalt  }
0x61: {  	_ =	shalt  }
0x62: {  	_ =	shalt  }
0x63: {  	_ =	shalt  }
0x64: {  	_ =	shalt  }
0x65: {  	_ =	shalt  }
0x66: {  	_ =	shalt  }
0x67: {  	_ =	shalt  }
0x68: {  	_ =	shalt  }
0x69: {  	_ =	shalt  }
0x6a: {  	_ =	shalt  }
0x6b: {  	_ =	shalt  }
0x6c: {  	_ =	shalt  }
0x6d: {  	_ =	shalt  }
0x6e: {  	_ =	shalt  }
0x6f: {  	_ =	shalt  }
0x70: {  	_ =	shalt  }
0x71: {  	_ =	shalt  }
0x72: {  	_ =	shalt  }
0x73: {  	_ =	shalt  }
0x74: {  	_ =	shalt  }
0x75: {  	_ =	shalt  }
0x76: {  	_ =	shalt  }
0x77: {  	_ =	shalt  }
0x78: {  	_ =	shalt  }
0x79: {  	_ =	shalt  }
0x7a: {  	_ =	shalt  }
0x7b: {  	_ =	shalt  }
0x7c: {  	_ =	shalt  }
0x7d: {  	_ =	shalt  }
0x7e: {  	_ =	shalt  }
0x7f: {  	_ =	shalt  }
0x80: {  	_ =	shalt  }
0x81: {  	_ =	shalt  }
0x82: {  	_ =	shalt  }
0x83: {  	_ =	shalt  }
0x84: {  	_ =	shalt  }
0x85: {  	_ =	shalt  }
0x86: {  	_ =	shalt  }
0x87: {  	_ =	shalt  }
.Lfunc_end0:
.L_simem_size_0:
called_computation_lowered:
.L_overlay_start_0:
0x88: {  	s2 =	sld [smem:$0x3FD9]  }
0x89: {  	s3 =	sld [smem:$0x3FFE];
	_ =	sdelay $0x1  }
0x8a: {  	s1 =	srdreg.scid  }
0x8b: {  	s0 =	sand.u32 $0x1, s1  }
0x8c: {  	s16 =	sshll.u32 s0, $0xA;
	s2 =	sadd.s32 s3, s2  }
0x8d: {  	s2 =	sadd.s32 s2, s16  }
0x8e: {  	[smem:$0x3FC4] =	sst s2  }
0x8f: {  	_ = 	snop  }
0x90: {  	(tm) =	ssettm $0x1  }
0x91: {  	s17 =	sld [smem:$0x3FFB];
	_ =	sdelay $0x3  }
0x92: {  	_ =	strace s17  }
0x93: {  	s2 =	sld [smem:$0x3FFC];
	_ =	sdelay $0x3  }
0x94: {  	_ =	strace s2  }
0x95: {  	s2 =	sld [smem:$0x3FFD];
	_ =	sdelay $0x3  }
0x96: {  	_ =	strace s2  }
0x97: {  	_ =	strace $0x8FFFFFFF  }
0x98: {  	s18 =	sld [smem:$0x3FDB];
	_ =	sdelay $0x1  }
0x99: {  	s19 =	simm.s32 $_scs_section_size  }
0x9a: {  	s4 =	simm.s32 $_size__tile_overlayer_lowered;
	s5 =	simm.s32 $_tile_overlayer_lowered  }
0x9b: {  	s22 =	simm.s32 $0x1BFF;
	s21 =	sshll.u32 s5, $0x1;
	s2 =	sadd.s32 s19, s18  }
0x9c: {  	s6 =	simm.s32 $0x0;
	s20 =	sshll.u32 s4, $0x1;
	s4 =	sadd.s32 s21, s2  }
0x9d: {  	[timem:s6], [sflag:s22] =	dma.local [hbm:s4], s20  }
0x9e: {  	_ =	swait.ge [sflag:s22], s20  }
0x9f: {  	s3 =	ssub.s32 $0x0, s20;
	[sflag:s22] =	ssyncset.done $0x0  }
0xa0: {  	[sflag:s22] =	ssyncadd.s32 s3;
	_ =	sdelay $0x1  }
0xa1: {  	s23 =	simm.s32 $0x1B8B  }
0xa2: {  	_ =	swait.ge [sflag:s23], $0x1  }
0xa3: {  	[sflag:s23] =	ssyncset.done $0x0  }
0xa4: {  	s25 =	simm.s32 $0x1B8E;
	s24 =	sld [smem:$0x3FFE];
	[sflag:s23] =	ssyncadd.s32 $0xFFFFFFFF  }
0xa5: {  	s26 =	simm.s32 $execute0_lowered;
	[smem:$0x3FD2] =	sst s25  }
0xa6: {  	s4 =	sshll.u32 s26, $0x1;
	_ =	strace $0x80000049;
	[dreg:$0x1] =	wrdreg $0xFFFFFFFF  }
0xa7: {  	s28 =	simm.s32 $_size_execute0_lowered;
	s2 =	sadd.s32 s2, s4;
	[dreg:$0x0] =	wrdreg $0x0  }
0xa8: {  	s4 =	sshll.u32 s28, $0x1;
	[dreg:$0x2] =	wrdreg s2  }
0xa9: {  	[dreg:$0x3] =	wrdreg s4  }
0xaa: {  	[dreg:$0x4] =	wrdreg $0xC0  }
0xab: {  	_ =	task [dreg:s6], $0x5FFFF  }
0xac: {  	[dreg:$0x1] =	wrdreg $0xFFFFFFFF  }
0xad: {  	[dreg:$0x0] =	wrdreg $0x60  }
0xae: {  	[dreg:$0x2] =	wrdreg s24  }
0xaf: {  	[dreg:$0x3] =	wrdreg $0x9  }
0xb0: {  	_ =	task.clear_ibuf [dreg:s6], $0x4FFFF;
	_ =	strace $0x90000049  }
0xb1: {  	s29 =	simm.s32 $0x9;
	_ =	strace $0x8000004B  }
0xb2: {  	_ =	swait.ge [sflag:s29], $0x1  }
0xb3: {  	[sflag:s29] =	ssyncadd.s32 $0xFFFFFFFF  }
0xb4: {  	_ =	strace $0x9000004B  }
0xb5: {  	_ =	sfence  }
0xb6: {  	s30 =	sld [smem:$0x0];
	_ =	sdelay $0x2  }
0xb7: {  	s31 =	sshll.u32 s1, $0xD;
	s1 =	sshrl.u32 s1, $0x2  }
0xb8: {  	s3 =	sand.u32 $0x4000, s31;
	s1 =	sadd.s32 s1, s30  }
0xb9: {  	s0 =	sor.u32 s3, s0;
	s1 =	sshll.u32 s1, $0x11  }
0xba: {  	s0 =	sor.u32 s1, s0  }
0xbb: {  	s0 =	sadd.s32 $0x8F2B, s0  }
0xbc: {  	[sflag:s0] =	ssyncadd.remote.s32 $0x1  }
0xbd: {  	_ =	sfence.sel $0xFFFF  }
0xbe: {  	[dreg:$0x0] =	wrdreg $0xFFFFFFFF;
	(pc) =	sbr.abs _section_cstart, $3  }
0xbf: {  	[dreg:$0x1] =	wrdreg $0xFFFFFFFF  }
0xc0: {  	_ =	task.clear_ibuf [dreg:s6], $0x2FFFF;
	_ =	strace $0x9FFFFFFF  }
0xc1: {  	(tm) =	ssettm $0x7FFFFFFF  }
tec
execute0_lowered:
.L_overlay_start_1:
0x0: {  	(tag) =	ssettag $0x1  }
0x1: {  	s8 =	rddreg [dreg:$0x0];
	s1 =	stileid.u32  }
0x2: {  	s2 =	srdreg.scid;
	s0 =	rddreg [dreg:$0x1]  }
0x3: {  	_ =	strace $0x8000004A;
	s5 =	simm.s32 $0x1;
	s9 =	simm.s32 $0x1  }
0x4: {  	s10 =	simm.s32 $0x3;
	s2 =	sand.u32 $0x1, s2;
	s3 =	sshll.u32 s1, $0x1  }
0x5: {  	s13 =	simm.s32 $0x0;
	s12 =	simm.s32 $0x0;
	s6 =	sor.u32 s3, s2  }
0x6: {  	[sflag:s5] =	ssyncpa.u1 $0x0;
	s2 =	sadd.s32 $0xFE00, s8;
	s4 =	smul.u32 $0x4B0, s6  }
0x7: {  	s3 =	sadd.s32 $0x19E00, s8;
	p0 =	slt.u32 s6, $0x9;
	s6 =	simm.s32 $0x9600  }
.Ltmp0:
0x8: {  	s6 =	simm.s32 @!p0 $0x0;
	s7 =	ssub.s32 $0xBB80, s4;
	(pc) =	sbr.rel .LBB2_1-.Ltmp0, $4  }
0x9: {  	s9 =	simm.s32 @!p0 $0x0;
	p0 =	sne.s32 s7, s6;
	s7 =	simm.s32 $0x1  }
0xa: {  	s8 =	sadd.s32 $0x1B600, s8;
	s6 =	simm.s32 $0x2;
	s7 =	simm.s32 @!p0 $0x0  }
0xb: {  	s11 =	smov.u32 s4;
	[sflag:s6] =	ssyncpa.u1 $0x0;
	s7 =	sadd.s32 s9, s7  }
0xc: {  	vm0 =	vmmov $0xffff;
	[sflag:s10] =	ssyncpa.u1 $0x0;
	s10 =	simm.s32 $0x0;
	s9 =	sadd.s32 $0x1, s7  }
.LBB2_4:
0xd: {  	vm1 =	veq.s32 v4, $0x80000000;
	v56 =	vand.u32 $0x7, v4;
	v6 =	vand.u32 $0x7FFF, v6  }
0xe: {  	v2 =	vor.u32 v2, v5;
	v59 =	vshrl.u32 v1, $0x3;
	v60 =	vand.u32 $0x7, v1  }
0xf: {  	v4 =	vsel vm1, $0xFFFFFFFF, v56;
	v6 =	vsel vm1, $0xFFFFFFFF, v6;
	v2 =	vor.u32 v3, v2  }
0x10: {  	vm1 =	veq.s32 v1, $0x80000000;
	v5 =	vand.u32 $0x7FFF, v59;
	v7 =	vshrl.u32 v4, $0x3  }
0x11: {  	v57 =	vshll.u32 v6, $0x3;
	v4 =	vshll.u32 v4, $0x7;
	v1 =	vsel vm1, $0xFFFFFFFF, v60  }
0x12: {  	v5 =	vsel vm1, $0xFFFFFFFF, v5;
	v6 =	vand.u32 $0x7F, v6;
	v7 =	vmul.u32 $0x28000, v7  }
0x13: {  	v58 =	vand.u32 $0xFFFFFC00, v57;
	v4 =	vand.u32 $0x380, v4;
	v61 =	vshrl.u32 v1, $0x3  }
0x14: {  	v62 =	vshll.u32 v5, $0x3;
	v3 =	vadd.s32 v7, v58;
	v7 =	vmul.u32 $0x28000, v61  }
0x15: {  	v1 =	vshll.u32 v1, $0x7;
	v3 =	vor.u32 v4, v3;
	v4 =	vand.u32 $0xFFFFFC00, v62  }
0x16: {  	v1 =	vand.u32 $0x380, v1;
	v3 =	vor.u32 v6, v3;
	v4 =	vadd.s32 v7, v4  }
0x17: {  	[tilespmem:s16], [sflag:$0x1] =	stream.indirect_vreg.gather [hbm4b:s2+s10], $0x1, v0, vm0, $0x4038;
	v63 =	vand.u32 $0x7F, v5;
	v1 =	vor.u32 v1, v4;
	[tilespmem:$0x12C0] =	vst v63  }
0x18: {  	s15 =	sadd.s32 $0x10, s15;
	(ifvalue) =	ssetifvalue $0x7FFFFFFF;
	v0 =	vor.u32 v63, v1  }
0x19: {  	[tilespmem:s15], [sflag:$0x1] =	stream.indirect_vreg.gather [hbm4b:s2+s10], $0x1, v2, vm0, $0x4038;
	[tilespmem:$0x12C0] =	vst v63  }
0x1a: {  	s15 =	sadd.s32 $0x10, s15;
	(ifvalue) =	ssetifvalue $0x7FFFFFFF  }
0x1b: {  	[tilespmem:s15], [sflag:$0x1] =	stream.indirect_vreg.gather [hbm4b:s2+s10], $0x1, v3, vm0, $0x4038;
	[tilespmem:$0x12C0] =	vst v63  }
0x1c: {  	s15 =	sadd.s32 $0x10, s15;
	(ifvalue) =	ssetifvalue $0x7FFFFFFF  }
0x1d: {  	[tilespmem:s15], [sflag:$0x1] =	stream.indirect_vreg.gather [hbm4b:s2+s10], $0x1, v0, vm0, $0x4038;
	[tilespmem:$0x12C0] =	vst v63  }
0x1e: {  	_ =	swait.ge [sflag:s5], $0x4B0  }
0x1f: {  	s30 =	sshrl.u32 s13, $0x3;
	[sflag:s5] =	ssyncset.done $0x0  }
0x20: {  	s31 =	sand.u32 $0x7, s13;
	s15 =	sadd.s32 s8, s30;
	[sflag:s5] =	ssyncadd.s32 $0xFFFFFB50  }
0x21: {  	[hbm4b:s15+s31] =	stream.linear.scatter [tilespmem:s14], [sflag:$0x3], $0x4B0, $0x38;
	[tilespmem:$0x12C0] =	vst v63  }
.LBB2_5:
0x22: {  	s15 =	sadd.s32 $0x9600, s11  }
0x23: {  	p1 =	sgt.s32 s15, $0xBB7F  }
0x24: {  	s15 =	smov.u32 @p1 s4;
	p1 =	sne.s32 s12, s9  }
.Ltmp1:
0x25: {  	p0 =	slt.u32 s12, $0x2;
	(pc) =	sbr.rel @!p1 .LBB2_6-.Ltmp1, $4  }
0x26: {  	s14 =	simm.s32 @!p0 $0x3  }
0x27: {  	_ =	swait.ge @!p0 [sflag:s14], $0x4B0  }
0x28: {  	s16 =	sadd.s32 $0x1, s12;
	s13 =	smov.u32 s11;
	[sflag:s14] =	ssyncset.done @!p0 $0x0  }
0x29: {  	s12 =	smov.u32 s16;
	s11 =	smov.u32 s15;
	[sflag:s14] =	ssyncadd.s32 @!p0 $0xFFFFFB50  }
.LBB2_1:
0x2a: {  	p0 =	sge.u32 s12, s7  }
0x2b: {  	s14 =	sxor.u32 @!p0 $0x1, s12  }
0x2c: {  	s14 =	smul.u32 @!p0 $0x12C0, s14  }
0x2d: {  	s31 =	sadd.s32 $0xFFFFFFFF, s12;
	s15 =	sshrl.u32 @!p0 s11, $0x3  }
0x2e: {  	s16 =	sand.u32 @!p0 $0x7, s11;
	s15 =	sadd.s32 @!p0 s3, s15;
	s14 =	sshra.s32 @!p0 s14, $0x2  }
0x2f: {  	[tilespmem:s14], [sflag:$0x2] =	stream.linear.gather @!p0 [hbm4b:s15+s16], $0x4B0, $0x38;
	[tilespmem:$0x12C0] =	vst v63  }
0x30: {  	p0 =	sge.u32 s31, s7  }
.Ltmp2:
0x31: {  	_ = 	snop;
	(pc) =	sbr.rel @p0 .LBB2_5-.Ltmp2, $1  }
0x32: {  	_ =	sdelay $0x3  }
0x33: {  	s14 =	sand.u32 $0x1, s12  }
0x34: {  	_ =	swait.ge [sflag:s6], $0x4B0;
	p0 =	seq.s32 s14, $0x1;
	s14 =	simm.s32 $0x4B0  }
0x35: {  	[sflag:s6] =	ssyncset.done $0x0;
	s14 =	simm.s32 @!p0 $0x0  }
0x36: {  	[sflag:s6] =	ssyncadd.s32 $0xFFFFFB50;
	(ifvalue) =	ssetifvalue $0x7FFFFFFF;
	v0 =	vld.msk [tilespmem:s14+$0x0 ss:$0x1], $0xffff  }
0x37: {  	s15 =	sadd.s32 $0x10, s14  }
0x38: {  	v1 =	vld.msk [tilespmem:s15+$0x0 ss:$0x1], $0xffff;
	_ =	sdelay $0x2  }
0x39: {  	v2 =	vshrl.u32 v0, $0x3  }
0x3a: {  	vm1 =	veq.s32 v0, $0x80000000;
	v0 =	vand.u32 $0x7, v0;
	v2 =	vand.u32 $0x7FFF, v2  }
0x3b: {  	v0 =	vsel vm1, $0xFFFFFFFF, v0;
	v6 =	vshrl.u32 v1, $0x3;
	v2 =	vsel vm1, $0xFFFFFFFF, v2  }
0x3c: {  	v3 =	vshrl.u32 v0, $0x3;
	v0 =	vshll.u32 v0, $0x7;
	vm1 =	veq.s32 v1, $0x80000000  }
0x3d: {  	s15 =	sadd.s32 $0x10, s15;
	v1 =	vand.u32 $0x7, v1;
	v4 =	vshll.u32 v2, $0x3;
	v3 =	vmul.u32 $0x28000, v3  }
0x3e: {  	v0 =	vand.u32 $0x380, v0;
	v7 =	vand.u32 $0x7F, v2;
	v5 =	vand.u32 $0xFFFFFC00, v4;
	v4 =	vld.msk [tilespmem:s15+$0x0 ss:$0x1], $0xffff  }
0x3f: {  	v1 =	vsel vm1, $0xFFFFFFFF, v1;
	v2 =	vadd.s32 v3, v5;
	v3 =	vand.u32 $0x7FFF, v6  }
0x40: {  	v3 =	vsel vm1, $0xFFFFFFFF, v3;
	v0 =	vor.u32 v0, v2;
	v2 =	vshrl.u32 v1, $0x3  }
0x41: {  	v1 =	vshll.u32 v1, $0x7;
	v5 =	vshll.u32 v3, $0x3;
	v8 =	vmul.u32 $0x28000, v2  }
0x42: {  	s18 =	simm.s32 $0x30;
	s14 =	sadd.s32 $0x960, s14;
	s17 =	sadd.s32 $0x10, s15;
	v2 =	vand.u32 $0x380, v1;
	v0 =	vor.u32 v7, v0;
	v5 =	vand.u32 $0xFFFFFC00, v5  }
0x43: {  	s16 =	smov.u32 s14;
	s15 =	smov.u32 s14;
	v1 =	vld.msk [tilespmem:s17+$0x0 ss:$0x1], $0xffff;
	v3 =	vand.u32 $0x7F, v3;
	(ifvalue) =	ssetifvalue $0x7FFFFFFF;
	v6 =	vshrl.u32 v4, $0x3;
	v5 =	vadd.s32 v8, v5  }
.LBB2_3:
0x44: {  	s18 =	sadd.s32 $0x10, s18  }
0x45: {  	vm1 =	veq.s32 v4, $0x80000000;
	v4 =	vand.u32 $0x7, v4;
	v6 =	vand.u32 $0x7FFF, v6;
	s15 =	sadd.s32 $0x10, s15;
	p0 =	slt.u32 s18, $0x4A0  }
.Ltmp3:
0x46: {  	v5 =	vor.u32 v2, v5;
	v4 =	vsel vm1, $0xFFFFFFFF, v4;
	v7 =	vsel vm1, $0xFFFFFFFF, v6;
	(pc) =	sbr.rel @p0 .LBB2_3-.Ltmp3, $4  }
0x47: {  	v2 =	vshrl.u32 v4, $0x3;
	v6 =	vshll.u32 v7, $0x3;
	v4 =	vshll.u32 v4, $0x7;
	[tilespmem:s16], [sflag:$0x1] =	stream.indirect_vreg.gather [hbm4b:s2+s10], $0x1, v0, vm0, $0x4038;
	[tilespmem:$0x12C0] =	vst v63  }
0x48: {  	v0 =	vor.u32 v3, v5;
	s16 =	smov.u32 s15;
	v8 =	vmul.u32 $0x28000, v2;
	v2 =	vand.u32 $0x380, v4  }
0x49: {  	s17 =	sadd.s32 $0x10, s17;
	v9 =	vand.u32 $0xFFFFFC00, v6  }
0x4a: {  	v3 =	vand.u32 $0x7F, v7;
	v6 =	vshrl.u32 v1, $0x3;
	v5 =	vadd.s32 v8, v9;
	(ifvalue) =	ssetifvalue $0x7FFFFFFF;
	v4 =	vmovc v1;
	v1 =	vld.msk [tilespmem:s17+$0x0 ss:$0x1], $0xffff  }
.Ltmp4:
0x4b: {  	_ = 	snop;
	(pc) =	sbr.rel .LBB2_4-.Ltmp4, $1  }
0x4c: {  	_ =	sdelay $0x3  }
.LBB2_6:
0x4d: {  	_ =	sfence.sel $0x180000  }
0x4e: {  	s2 =	simm.s32 $0x2;
	[bflag:$0x0] =	sbarrier.arrive $0xFFFF  }
0x4f: {  	s30 =	simm.s32 $0x3;
	[sflag:s2] =	ssyncpa.u1 $0x1  }
0x50: {  	s31 =	simm.s32 $0x1;
	[sflag:s30] =	ssyncpa.u1 $0x1  }
0x51: {  	[sflag:s31] =	ssyncpa.u1 $0x1  }
0x52: {  	p0 =	sne.s32 s1, $0x0;
	_ =	strace $0x9000004A  }
0x53: {  	s0 =	sadd.s32 @!p0 $0x100000, s0;
	[bflag:$0x2] =	sbarrier.arrive $0xFFFF  }
0x54: {  	[sflag:s0] =	ssyncadd.tile.s32 @!p0 $0x1;
	_ =	shalt  }
.Lfunc_end2:
_tile_overlayer_lowered:
.L_overlay_start_2:
0x55: {  	(tag) =	ssettag $0x2  }
0x56: {  	s0 =	rddreg [dreg:$0x0];
	s2 =	stileid.u32  }
0x57: {  	s1 =	rddreg [dreg:$0x1];
	p0 =	sne.s32 s2, $0x0  }
0x58: {  	s3 =	rddreg [dreg:$0x2];
	[bflag:$0x3] =	sbarrier.arrive $0xFFFF;
	s2 =	simm.s32 @!p0 $0x1C01  }
0x59: {  	[timem:s3], [sflag:s2] =	dma.local @!p0 [hbm:s0], s1  }
0x5a: {  	s0 =	simm.s32 @!p0 $0x1  }
0x5b: {  	_ =	swait.ge @!p0 [sflag:s0], s1  }
0x5c: {  	s1 =	ssub.s32 @!p0 $0x0, s1;
	[sflag:s0] =	ssyncset.done @!p0 $0x0  }
0x5d: {  	[sflag:s0] =	ssyncadd.s32 @!p0 s1  }
0x5e: {  	[bflag:$0x3] =	sbarrier.arrive $0xFFFF  }
0x5f: {  	_ =	shalt  }

</sc_bundles>
